<compile_context>
chip_gen: v7x
topology: tpu7x:2x2x1
jax: 0.10.2.dev20260603
libtpu: 0.0.44.dev20260713+nightly
codegen_flags: <defaults>
</compile_context>

<pallas_src>
import functools
import math

import jax
import jax.numpy as jnp
from jax import lax
from jax.experimental import pallas as pl
from jax.experimental.pallas import tpu as pltpu
from jax.experimental.pallas import tpu_sc as plsc

HIDDEN = 128
NUM_LEAVES = 512
NUM_NODES = 1023
L = 8
NCLASS = 4
WORD_DIM = 5000

_NPAD = 1024
_B = _NPAD * L
_LEVELS = (256, 128, 64, 32, 16, 8, 4, 2, 1)

_NC = 2
_NS = 16
_NW = _NC * _NS
_BPW = _B // _NW


@functools.cache
def _get_sc_gather():
    mesh = plsc.VectorSubcoreMesh(core_axis_name="c", subcore_axis_name="s")

    @functools.partial(
        pl.kernel,
        mesh=mesh,
        out_type=jax.ShapeDtypeStruct((_B, HIDDEN), jnp.float32),
        scratch_types=[
            pltpu.VMEM((_BPW,), jnp.int32),
            pltpu.VMEM((_BPW, HIDDEN), jnp.float32),
            pltpu.SemaphoreType.DMA,
        ],
    )
    def _sc_gather(table_hbm, idx_hbm, out_hbm, idx_v, rows_v, sem):
        wid = lax.axis_index("s") * _NC + lax.axis_index("c")
        base = wid * _BPW
        pltpu.sync_copy(idx_hbm.at[pl.ds(base, _BPW)], idx_v)
        pltpu.async_copy(table_hbm.at[idx_v], rows_v, sem).wait()
        pltpu.sync_copy(rows_v, out_hbm.at[pl.ds(base, _BPW)])

    return _sc_gather


def _tc_body(rows_ref, xw_ref, mq_ref, mk_ref, mv_ref, mz_ref, nz_ref,
             mr_ref, nr_ref, mh_ref, nh_ref, bz_ref, br_ref, bh_ref,
             wout_ref, bout_ref, y_ref, pred_ref, loss_ref):
    f32 = jnp.float32
    inv_sqrt_h = 1.0 / math.sqrt(float(HIDDEN))

    xw = xw_ref[...]
    xe = rows_ref[0] * xw[:, 0][:, None]
    for l in range(1, L):
        xe = xe + rows_ref[l] * xw[:, l][:, None]

    mq = mq_ref[...]
    mk = mk_ref[...]
    mv = mv_ref[...]
    mz = mz_ref[...]
    nz = nz_ref[...]
    mr = mr_ref[...]
    nr = nr_ref[...]
    mh = mh_ref[...]
    nh = nh_ref[...]
    bz = bz_ref[...]
    br = br_ref[...]
    bh = bh_ref[...]

    xl = xe[0:NUM_LEAVES]
    z = jax.nn.sigmoid(jnp.dot(xl, mz) + bz)
    c = jnp.tanh(jnp.dot(xl, mh) + bh)
    h = (1.0 - z) * c

    off = NUM_LEAVES
    for n in _LEVELS:
        ch = h
        xev = xe[off:off + n]
        q = jax.nn.sigmoid(jnp.dot(xev, mq))
        k3 = jnp.dot(ch, mk).reshape(n, 2, HIDDEN)
        v3 = jnp.dot(ch, mv).reshape(n, 2, HIDDEN)
        d = jnp.sum(q * (k3[:, 0, :] - k3[:, 1, :]), axis=1,
                    keepdims=True) * inv_sqrt_h
        a0 = jax.nn.sigmoid(d)
        ht = a0 * v3[:, 0, :] + (1.0 - a0) * v3[:, 1, :]
        z = jax.nn.sigmoid(jnp.dot(xev, mz) + jnp.dot(ht, nz) + bz)
        r = jax.nn.sigmoid(jnp.dot(xev, mr) + jnp.dot(ht, nr) + br)
        c = jnp.tanh(jnp.dot(xev, mh) + jnp.dot(ht * r, nh) + bh)
        h = z * ht + (1.0 - z) * c
        off += n

    root = h
    logits = lax.dot_general(root, wout_ref[...],
                             (((1,), (1,)), ((), ()))) + bout_ref[...]
    m = jnp.max(logits)
    p = jnp.exp(logits - m)
    pred = p / jnp.sum(p)
    pred_ref[...] = pred
    loss_ref[...] = jnp.full((1, 1), jnp.sum((y_ref[...] - pred) ** 2), f32)


_tc_call = pl.pallas_call(
    _tc_body,
    out_shape=[jax.ShapeDtypeStruct((1, NCLASS), jnp.float32),
               jax.ShapeDtypeStruct((1, 1), jnp.float32)],
)


def kernel(x_word, x_index, tree, y, E_bu, W_z_bu, U_z_bu, b_z_bu,
           W_r_bu, U_r_bu, b_r_bu, W_h_bu, U_h_bu, b_h_bu,
           W_out_bu, b_out_bu, WQ, WK, WV):
    f32 = jnp.float32
    table = E_bu.T.astype(f32)
    idx = jnp.zeros((L, _NPAD), jnp.int32).at[:, :NUM_NODES].set(
        x_index.astype(jnp.int32).T)
    rows = _get_sc_gather()(table, idx.reshape(-1))
    rows3 = rows.reshape(L, _NPAD, HIDDEN)

    xw = jnp.zeros((_NPAD, L), f32).at[:NUM_NODES].set(x_word.astype(f32))

    pred, loss = _tc_call(
        rows3, xw, WQ, WK, WV,
        W_z_bu.T, U_z_bu.T, W_r_bu.T, U_r_bu.T, W_h_bu.T, U_h_bu.T,
        b_z_bu.reshape(1, HIDDEN), b_r_bu.reshape(1, HIDDEN),
        b_h_bu.reshape(1, HIDDEN), W_out_bu, b_out_bu.reshape(1, NCLASS),
        y.reshape(1, NCLASS))
    return pred[0], loss[0, 0]

# --- scband reference (transcript-rebuilt; emitter-appended) ---
"""Pipeline reference for scband-attention-gru-10024453669589 (READ-ONLY COPY).

The authoritative reference and input builder live on the scoring server;
editing this copy changes nothing except your own understanding.
"""

import jax, jax.numpy as jnp
import numpy as np

WORD_DIM = 5000
HIDDEN = 128
NCLASS = 4
DEGREE = 2
NUM_LEAVES = 512
NUM_PARENTS = 511
NUM_NODES = 1023
L = 8


def _build_tree():
    # full binary tree, bottom-up: leaves are nodes 0..511, internal node k is node 512+k
    # row k = [child0, child1, parent_node_index]; children always precede parent in node order
    tree = np.full((NUM_PARENTS, DEGREE + 1), -1, dtype=np.int64)
    for k in range(NUM_PARENTS):
        tree[k, 0] = 2 * k
        tree[k, 1] = 2 * k + 1
        tree[k, 2] = NUM_LEAVES + k
    return tree


def setup_inputs(seed: int = 0) -> dict:
    key = jax.random.key(seed)
    ks = jax.random.split(key, 20)

    def mat(k, shape):
        return 0.1 * jax.random.normal(k, shape, dtype=jnp.float32)

    inp = {
        "x_word": jax.random.uniform(ks[0], (NUM_NODES, L), dtype=jnp.float32),
        "x_index": jax.random.randint(ks[1], (NUM_NODES, L), 0, WORD_DIM),
        "tree": jnp.asarray(_build_tree()),
        "y": jax.random.uniform(ks[2], (NCLASS,), dtype=jnp.float32),
        "E_bu": mat(ks[3], (HIDDEN, WORD_DIM)),
        "W_z_bu": mat(ks[4], (HIDDEN, HIDDEN)),
        "U_z_bu": mat(ks[5], (HIDDEN, HIDDEN)),
        "b_z_bu": jnp.zeros((HIDDEN,), dtype=jnp.float32),
        "W_r_bu": mat(ks[6], (HIDDEN, HIDDEN)),
        "U_r_bu": mat(ks[7], (HIDDEN, HIDDEN)),
        "b_r_bu": jnp.zeros((HIDDEN,), dtype=jnp.float32),
        "W_h_bu": mat(ks[8], (HIDDEN, HIDDEN)),
        "U_h_bu": mat(ks[9], (HIDDEN, HIDDEN)),
        "b_h_bu": jnp.zeros((HIDDEN,), dtype=jnp.float32),
        "W_out_bu": mat(ks[10], (NCLASS, HIDDEN)),
        "b_out_bu": jnp.zeros((NCLASS,), dtype=jnp.float32),
        "WQ": mat(ks[11], (HIDDEN, HIDDEN)),
        "WK": mat(ks[12], (HIDDEN, HIDDEN)),
        "WV": mat(ks[13], (HIDDEN, HIDDEN)),
    }
    return inp


def reference(x_word, x_index, tree, y, E_bu, W_z_bu, U_z_bu, b_z_bu, W_r_bu, U_r_bu, b_r_bu,
              W_h_bu, U_h_bu, b_h_bu, W_out_bu, b_out_bu, WQ, WK, WV):
    H = W_z_bu.shape[0]
    num_parents = tree.shape[0]
    num_nodes = x_word.shape[0]
    num_leaves = num_nodes - num_parents
    degree = tree.shape[1] - 1
    inv_sqrt_h = 1.0 / np.sqrt(H * 1.0)

    def recursive_unit(word, idx, child_h):
        # parent_xe = (E_bu[:, idx] * word).sum(dim=1)  -> [H]
        xe = (jnp.take(E_bu, idx, axis=1) * word[None, :]).sum(axis=1)
        # query = sigmoid((xe * WQ.T).sum(dim=1)) == sigmoid(xe @ WQ)
        q = jax.nn.sigmoid(xe @ WQ)
        key = child_h @ WK
        val = child_h @ WV
        att = jax.nn.softmax(((q * inv_sqrt_h)[None, :] * key).sum(axis=1))
        h_tilde = att @ val
        z = jax.nn.sigmoid(W_z_bu @ xe + U_z_bu @ h_tilde + b_z_bu)
        r = jax.nn.sigmoid(W_r_bu @ xe + U_r_bu @ h_tilde + b_r_bu)
        c = jnp.tanh(W_h_bu @ xe + U_h_bu @ (h_tilde * r) + b_h_bu)
        return z * h_tilde + (1.0 - z) * c

    zeros_child = jnp.zeros((degree, H), dtype=x_word.dtype)
    leaf_h = jax.vmap(lambda w, i: recursive_unit(w, i, zeros_child))(
        x_word[:num_leaves], x_index[:num_leaves])
    node_h0 = jnp.zeros((num_nodes, H), dtype=x_word.dtype).at[:num_leaves].set(leaf_h)

    def step(node_h, inp):
        w, i, trow, k = inp
        child_h = node_h[trow[:degree]]
        ph = recursive_unit(w, i, child_h)
        node_h = node_h.at[num_leaves + k].set(ph)
        return node_h, ph

    xs = (x_word[num_leaves:], x_index[num_leaves:], tree, jnp.arange(num_parents))
    _, parent_hs = jax.lax.scan(step, node_h0, xs)
    root = parent_hs[-1]

    pred = jax.nn.softmax(W_out_bu @ root + b_out_bu)
    loss = jnp.sum((y - pred) ** 2)
    return pred, loss

if __name__ == "__main__":
    import jax
    _d = setup_inputs()
    print(jax.jit(kernel)(*tuple(_d.values())))

</pallas_src>

<mosaic_0001>
#map = affine_map<(d0, d1) -> (0, 0)>
#map1 = affine_map<(d0, d1) -> (0)>
module attributes {stable_mosaic.version = 14 : i64} {
  func.func @_sc_gather(%arg0: i32, %arg1: i32, %arg2: memref<5000x128xf32, #tpu.memory_space<hbm>>, %arg3: memref<8192xi32, #tpu.memory_space<hbm>>, %arg4: memref<8192x128xf32, #tpu.memory_space<hbm>>, %arg5: memref<256xi32, #tpu.memory_space<vmem>>, %arg6: memref<256x128xf32, #tpu.memory_space<vmem>>, %arg7: memref<!tpu.dma_semaphore, #tpu.memory_space<semaphore_mem>>) attributes {dimension_semantics = [#tpu.dimension_semantics<core_parallel>, #tpu.dimension_semantics<subcore_parallel>], iteration_bounds = array<i64: 2, 16>, scalar_prefetch = 0 : i64, scratch_operands = 3 : i64, tpu.core_type = #tpu.core_type<sc_vector_subcore>, window_params = [{transform_indices = #map}, {transform_indices = #map1}, {transform_indices = #map}]} {
    %mul3A = arith.constant 2 : i32
    %mul3A_0 = arith.muli %arg1, %mul3A : i32
    %add3A = arith.addi %mul3A_0, %arg0 : i32
    %mul3A_1 = arith.constant 256 : i32
    %mul3A_2 = arith.muli %add3A, %mul3A_1 : i32
    "tpu.region"() ({
      %run_scoped3A = tpu.sem_alloc : memref<!tpu.dma_semaphore, #tpu.memory_space<semaphore_mem>>
      %dma_start3A_7 = tpu.memref_slice %arg3[%mul3A_2] : memref<8192xi32, #tpu.memory_space<hbm>> -> memref<256xi32, #tpu.memory_space<hbm>>
      %dma_start3A_8 = tpu.memref_slice %arg3[%mul3A_2] : memref<8192xi32, #tpu.memory_space<hbm>> -> memref<256xi32, #tpu.memory_space<hbm>>
      tpu.enqueue_dma source(%dma_start3A_8 : memref<256xi32, #tpu.memory_space<hbm>>) target(%arg5 : memref<256xi32, #tpu.memory_space<vmem>>) target_semaphore(%run_scoped3A : memref<!tpu.dma_semaphore, #tpu.memory_space<semaphore_mem>>)
      %dma_wait3A_9 = tpu.memref_slice %arg3[%mul3A_2] : memref<8192xi32, #tpu.memory_space<hbm>> -> memref<256xi32, #tpu.memory_space<hbm>>
      %dma_wait3A_10 = tpu.memref_slice %arg3[%mul3A_2] : memref<8192xi32, #tpu.memory_space<hbm>> -> memref<256xi32, #tpu.memory_space<hbm>>
      tpu.wait_dma2 semaphore(%run_scoped3A : memref<!tpu.dma_semaphore, #tpu.memory_space<semaphore_mem>>) src(%dma_wait3A_10 : memref<256xi32, #tpu.memory_space<hbm>>) dst(%arg5 : memref<256xi32, #tpu.memory_space<vmem>>)
      tpu.yield
    }) : () -> ()
    %dma_start3A = arith.constant 0 : i32
    %dma_start3A_3 = arith.constant 0 : i32
    %dma_start3A_4 = tpu.memref_slice %arg2[%dma_start3A, %dma_start3A_3] : memref<5000x128xf32, #tpu.memory_space<hbm>> -> memref<5000x128xf32, #tpu.memory_space<hbm>>
    tpu.enqueue_indirect_dma source(%dma_start3A_4 : memref<5000x128xf32, #tpu.memory_space<hbm>>) target(%arg6 : memref<256x128xf32, #tpu.memory_space<vmem>>) offsets(%arg5 : memref<256xi32, #tpu.memory_space<vmem>>) semaphore(%arg7 : memref<!tpu.dma_semaphore, #tpu.memory_space<semaphore_mem>>)
    %dma_wait3A = arith.constant 0 : i32
    %dma_wait3A_5 = arith.constant 0 : i32
    %dma_wait3A_6 = tpu.memref_slice %arg2[%dma_wait3A, %dma_wait3A_5] : memref<5000x128xf32, #tpu.memory_space<hbm>> -> memref<5000x128xf32, #tpu.memory_space<hbm>>
    tpu.wait_indirect_dma semaphore(%arg7 : memref<!tpu.dma_semaphore, #tpu.memory_space<semaphore_mem>>) src(%dma_wait3A_6 : memref<5000x128xf32, #tpu.memory_space<hbm>>) dst(%arg6 : memref<256x128xf32, #tpu.memory_space<vmem>>)
    "tpu.region"() ({
      %run_scoped3A = tpu.sem_alloc : memref<!tpu.dma_semaphore, #tpu.memory_space<semaphore_mem>>
      %dma_start3A_7 = arith.constant 0 : i32
      %dma_start3A_8 = tpu.memref_slice %arg4[%mul3A_2, %dma_start3A_7] : memref<8192x128xf32, #tpu.memory_space<hbm>> -> memref<256x128xf32, #tpu.memory_space<hbm>>
      %dma_start3A_9 = arith.constant 0 : i32
      %dma_start3A_10 = tpu.memref_slice %arg4[%mul3A_2, %dma_start3A_9] : memref<8192x128xf32, #tpu.memory_space<hbm>> -> memref<256x128xf32, #tpu.memory_space<hbm>>
      tpu.enqueue_dma source(%arg6 : memref<256x128xf32, #tpu.memory_space<vmem>>) target(%dma_start3A_10 : memref<256x128xf32, #tpu.memory_space<hbm>>) target_semaphore(%run_scoped3A : memref<!tpu.dma_semaphore, #tpu.memory_space<semaphore_mem>>)
      %dma_wait3A_11 = arith.constant 0 : i32
      %dma_wait3A_12 = tpu.memref_slice %arg4[%mul3A_2, %dma_wait3A_11] : memref<8192x128xf32, #tpu.memory_space<hbm>> -> memref<256x128xf32, #tpu.memory_space<hbm>>
      %dma_wait3A_13 = arith.constant 0 : i32
      %dma_wait3A_14 = tpu.memref_slice %arg4[%mul3A_2, %dma_wait3A_13] : memref<8192x128xf32, #tpu.memory_space<hbm>> -> memref<256x128xf32, #tpu.memory_space<hbm>>
      tpu.wait_dma2 semaphore(%run_scoped3A : memref<!tpu.dma_semaphore, #tpu.memory_space<semaphore_mem>>) src(%arg6 : memref<256x128xf32, #tpu.memory_space<vmem>>) dst(%dma_wait3A_14 : memref<256x128xf32, #tpu.memory_space<hbm>>)
      tpu.yield
    }) : () -> ()
    return
  }
}

module attributes {stable_mosaic.version = 14 : i64} {
  func.func @_tc_body(%arg0: memref<8x1024x128xf32, #tpu.memory_space<vmem>>, %arg1: memref<1024x8xf32, #tpu.memory_space<vmem>>, %arg2: memref<128x128xf32, #tpu.memory_space<vmem>>, %arg3: memref<128x128xf32, #tpu.memory_space<vmem>>, %arg4: memref<128x128xf32, #tpu.memory_space<vmem>>, %arg5: memref<128x128xf32, #tpu.memory_space<vmem>>, %arg6: memref<128x128xf32, #tpu.memory_space<vmem>>, %arg7: memref<128x128xf32, #tpu.memory_space<vmem>>, %arg8: memref<128x128xf32, #tpu.memory_space<vmem>>, %arg9: memref<128x128xf32, #tpu.memory_space<vmem>>, %arg10: memref<128x128xf32, #tpu.memory_space<vmem>>, %arg11: memref<1x128xf32, #tpu.memory_space<vmem>>, %arg12: memref<1x128xf32, #tpu.memory_space<vmem>>, %arg13: memref<1x128xf32, #tpu.memory_space<vmem>>, %arg14: memref<4x128xf32, #tpu.memory_space<vmem>>, %arg15: memref<1x4xf32, #tpu.memory_space<vmem>>, %arg16: memref<1x4xf32, #tpu.memory_space<vmem>>, %arg17: memref<1x4xf32, #tpu.memory_space<vmem>>, %arg18: memref<1x1xf32, #tpu.memory_space<vmem>>) attributes {dimension_semantics = [], scalar_prefetch = 0 : i64, scratch_operands = 0 : i64, tpu.core_type = #tpu.core_type<tc>} {
    %get3A = arith.constant 0 : index
    %get3A_0 = arith.constant 0 : index
    %get3A_1 = vector.load %arg1[%get3A, %get3A_0] : memref<1024x8xf32, #tpu.memory_space<vmem>>, vector<1024x8xf32>
    %get3A_2 = arith.constant 0 : index
    %get3A_3 = arith.constant 0 : index
    %get3A_4 = arith.constant 0 : index
    %get3A_5 = vector.load %arg0[%get3A_2, %get3A_3, %get3A_4] : memref<8x1024x128xf32, #tpu.memory_space<vmem>>, vector<1x1024x128xf32>
    %get3A_6 = vector.shape_cast %get3A_5 : vector<1x1024x128xf32> to vector<1024x128xf32>
    %slice3A = vector.extract_strided_slice %get3A_1 {offsets = [0, 0], sizes = [1024, 1], strides = [1, 1]} : vector<1024x8xf32> to vector<1024x1xf32>
    %squeeze3A = vector.shape_cast %slice3A : vector<1024x1xf32> to vector<1024xf32>
    %broadcast_in_dim3A = vector.shape_cast %squeeze3A : vector<1024xf32> to vector<1024x1xf32>
    %mul3A = vector.broadcast %broadcast_in_dim3A : vector<1024x1xf32> to vector<1024x128xf32>
    %mul3A_7 = arith.mulf %get3A_6, %mul3A : vector<1024x128xf32>
    %get3A_8 = arith.constant 1 : index
    %get3A_9 = arith.constant 0 : index
    %get3A_10 = arith.constant 0 : index
    %get3A_11 = vector.load %arg0[%get3A_8, %get3A_9, %get3A_10] : memref<8x1024x128xf32, #tpu.memory_space<vmem>>, vector<1x1024x128xf32>
    %get3A_12 = vector.shape_cast %get3A_11 : vector<1x1024x128xf32> to vector<1024x128xf32>
    %slice3A_13 = vector.extract_strided_slice %get3A_1 {offsets = [0, 1], sizes = [1024, 1], strides = [1, 1]} : vector<1024x8xf32> to vector<1024x1xf32>
    %squeeze3A_14 = vector.shape_cast %slice3A_13 : vector<1024x1xf32> to vector<1024xf32>
    %broadcast_in_dim3A_15 = vector.shape_cast %squeeze3A_14 : vector<1024xf32> to vector<1024x1xf32>
    %mul3A_16 = vector.broadcast %broadcast_in_dim3A_15 : vector<1024x1xf32> to vector<1024x128xf32>
    %mul3A_17 = arith.mulf %get3A_12, %mul3A_16 : vector<1024x128xf32>
    %add3A = arith.addf %mul3A_7, %mul3A_17 : vector<1024x128xf32>
    %get3A_18 = arith.constant 2 : index
    %get3A_19 = arith.constant 0 : index
    %get3A_20 = arith.constant 0 : index
    %get3A_21 = vector.load %arg0[%get3A_18, %get3A_19, %get3A_20] : memref<8x1024x128xf32, #tpu.memory_space<vmem>>, vector<1x1024x128xf32>
    %get3A_22 = vector.shape_cast %get3A_21 : vector<1x1024x128xf32> to vector<1024x128xf32>
    %slice3A_23 = vector.extract_strided_slice %get3A_1 {offsets = [0, 2], sizes = [1024, 1], strides = [1, 1]} : vector<1024x8xf32> to vector<1024x1xf32>
    %squeeze3A_24 = vector.shape_cast %slice3A_23 : vector<1024x1xf32> to vector<1024xf32>
    %broadcast_in_dim3A_25 = vector.shape_cast %squeeze3A_24 : vector<1024xf32> to vector<1024x1xf32>
    %mul3A_26 = vector.broadcast %broadcast_in_dim3A_25 : vector<1024x1xf32> to vector<1024x128xf32>
    %mul3A_27 = arith.mulf %get3A_22, %mul3A_26 : vector<1024x128xf32>
    %add3A_28 = arith.addf %add3A, %mul3A_27 : vector<1024x128xf32>
    %get3A_29 = arith.constant 3 : index
    %get3A_30 = arith.constant 0 : index
    %get3A_31 = arith.constant 0 : index
    %get3A_32 = vector.load %arg0[%get3A_29, %get3A_30, %get3A_31] : memref<8x1024x128xf32, #tpu.memory_space<vmem>>, vector<1x1024x128xf32>
    %get3A_33 = vector.shape_cast %get3A_32 : vector<1x1024x128xf32> to vector<1024x128xf32>
    %slice3A_34 = vector.extract_strided_slice %get3A_1 {offsets = [0, 3], sizes = [1024, 1], strides = [1, 1]} : vector<1024x8xf32> to vector<1024x1xf32>
    %squeeze3A_35 = vector.shape_cast %slice3A_34 : vector<1024x1xf32> to vector<1024xf32>
    %broadcast_in_dim3A_36 = vector.shape_cast %squeeze3A_35 : vector<1024xf32> to vector<1024x1xf32>
    %mul3A_37 = vector.broadcast %broadcast_in_dim3A_36 : vector<1024x1xf32> to vector<1024x128xf32>
    %mul3A_38 = arith.mulf %get3A_33, %mul3A_37 : vector<1024x128xf32>
    %add3A_39 = arith.addf %add3A_28, %mul3A_38 : vector<1024x128xf32>
    %get3A_40 = arith.constant 4 : index
    %get3A_41 = arith.constant 0 : index
    %get3A_42 = arith.constant 0 : index
    %get3A_43 = vector.load %arg0[%get3A_40, %get3A_41, %get3A_42] : memref<8x1024x128xf32, #tpu.memory_space<vmem>>, vector<1x1024x128xf32>
    %get3A_44 = vector.shape_cast %get3A_43 : vector<1x1024x128xf32> to vector<1024x128xf32>
    %slice3A_45 = vector.extract_strided_slice %get3A_1 {offsets = [0, 4], sizes = [1024, 1], strides = [1, 1]} : vector<1024x8xf32> to vector<1024x1xf32>
    %squeeze3A_46 = vector.shape_cast %slice3A_45 : vector<1024x1xf32> to vector<1024xf32>
    %broadcast_in_dim3A_47 = vector.shape_cast %squeeze3A_46 : vector<1024xf32> to vector<1024x1xf32>
    %mul3A_48 = vector.broadcast %broadcast_in_dim3A_47 : vector<1024x1xf32> to vector<1024x128xf32>
    %mul3A_49 = arith.mulf %get3A_44, %mul3A_48 : vector<1024x128xf32>
    %add3A_50 = arith.addf %add3A_39, %mul3A_49 : vector<1024x128xf32>
    %get3A_51 = arith.constant 5 : index
    %get3A_52 = arith.constant 0 : index
    %get3A_53 = arith.constant 0 : index
    %get3A_54 = vector.load %arg0[%get3A_51, %get3A_52, %get3A_53] : memref<8x1024x128xf32, #tpu.memory_space<vmem>>, vector<1x1024x128xf32>
    %get3A_55 = vector.shape_cast %get3A_54 : vector<1x1024x128xf32> to vector<1024x128xf32>
    %slice3A_56 = vector.extract_strided_slice %get3A_1 {offsets = [0, 5], sizes = [1024, 1], strides = [1, 1]} : vector<1024x8xf32> to vector<1024x1xf32>
    %squeeze3A_57 = vector.shape_cast %slice3A_56 : vector<1024x1xf32> to vector<1024xf32>
    %broadcast_in_dim3A_58 = vector.shape_cast %squeeze3A_57 : vector<1024xf32> to vector<1024x1xf32>
    %mul3A_59 = vector.broadcast %broadcast_in_dim3A_58 : vector<1024x1xf32> to vector<1024x128xf32>
    %mul3A_60 = arith.mulf %get3A_55, %mul3A_59 : vector<1024x128xf32>
    %add3A_61 = arith.addf %add3A_50, %mul3A_60 : vector<1024x128xf32>
    %get3A_62 = arith.constant 6 : index
    %get3A_63 = arith.constant 0 : index
    %get3A_64 = arith.constant 0 : index
    %get3A_65 = vector.load %arg0[%get3A_62, %get3A_63, %get3A_64] : memref<8x1024x128xf32, #tpu.memory_space<vmem>>, vector<1x1024x128xf32>
    %get3A_66 = vector.shape_cast %get3A_65 : vector<1x1024x128xf32> to vector<1024x128xf32>
    %slice3A_67 = vector.extract_strided_slice %get3A_1 {offsets = [0, 6], sizes = [1024, 1], strides = [1, 1]} : vector<1024x8xf32> to vector<1024x1xf32>
    %squeeze3A_68 = vector.shape_cast %slice3A_67 : vector<1024x1xf32> to vector<1024xf32>
    %broadcast_in_dim3A_69 = vector.shape_cast %squeeze3A_68 : vector<1024xf32> to vector<1024x1xf32>
    %mul3A_70 = vector.broadcast %broadcast_in_dim3A_69 : vector<1024x1xf32> to vector<1024x128xf32>
    %mul3A_71 = arith.mulf %get3A_66, %mul3A_70 : vector<1024x128xf32>
    %add3A_72 = arith.addf %add3A_61, %mul3A_71 : vector<1024x128xf32>
    %get3A_73 = arith.constant 7 : index
    %get3A_74 = arith.constant 0 : index
    %get3A_75 = arith.constant 0 : index
    %get3A_76 = vector.load %arg0[%get3A_73, %get3A_74, %get3A_75] : memref<8x1024x128xf32, #tpu.memory_space<vmem>>, vector<1x1024x128xf32>
    %get3A_77 = vector.shape_cast %get3A_76 : vector<1x1024x128xf32> to vector<1024x128xf32>
    %slice3A_78 = vector.extract_strided_slice %get3A_1 {offsets = [0, 7], sizes = [1024, 1], strides = [1, 1]} : vector<1024x8xf32> to vector<1024x1xf32>
    %squeeze3A_79 = vector.shape_cast %slice3A_78 : vector<1024x1xf32> to vector<1024xf32>
    %broadcast_in_dim3A_80 = vector.shape_cast %squeeze3A_79 : vector<1024xf32> to vector<1024x1xf32>
    %mul3A_81 = vector.broadcast %broadcast_in_dim3A_80 : vector<1024x1xf32> to vector<1024x128xf32>
    %mul3A_82 = arith.mulf %get3A_77, %mul3A_81 : vector<1024x128xf32>
    %add3A_83 = arith.addf %add3A_72, %mul3A_82 : vector<1024x128xf32>
    %get3A_84 = arith.constant 0 : index
    %get3A_85 = arith.constant 0 : index
    %get3A_86 = vector.load %arg2[%get3A_84, %get3A_85] : memref<128x128xf32, #tpu.memory_space<vmem>>, vector<128x128xf32>
    %get3A_87 = arith.constant 0 : index
    %get3A_88 = arith.constant 0 : index
    %get3A_89 = vector.load %arg3[%get3A_87, %get3A_88] : memref<128x128xf32, #tpu.memory_space<vmem>>, vector<128x128xf32>
    %get3A_90 = arith.constant 0 : index
    %get3A_91 = arith.constant 0 : index
    %get3A_92 = vector.load %arg4[%get3A_90, %get3A_91] : memref<128x128xf32, #tpu.memory_space<vmem>>, vector<128x128xf32>
    %get3A_93 = arith.constant 0 : index
    %get3A_94 = arith.constant 0 : index
    %get3A_95 = vector.load %arg5[%get3A_93, %get3A_94] : memref<128x128xf32, #tpu.memory_space<vmem>>, vector<128x128xf32>
    %get3A_96 = arith.constant 0 : index
    %get3A_97 = arith.constant 0 : index
    %get3A_98 = vector.load %arg6[%get3A_96, %get3A_97] : memref<128x128xf32, #tpu.memory_space<vmem>>, vector<128x128xf32>
    %get3A_99 = arith.constant 0 : index
    %get3A_100 = arith.constant 0 : index
    %get3A_101 = vector.load %arg7[%get3A_99, %get3A_100] : memref<128x128xf32, #tpu.memory_space<vmem>>, vector<128x128xf32>
    %get3A_102 = arith.constant 0 : index
    %get3A_103 = arith.constant 0 : index
    %get3A_104 = vector.load %arg8[%get3A_102, %get3A_103] : memref<128x128xf32, #tpu.memory_space<vmem>>, vector<128x128xf32>
    %get3A_105 = arith.constant 0 : index
    %get3A_106 = arith.constant 0 : index
    %get3A_107 = vector.load %arg9[%get3A_105, %get3A_106] : memref<128x128xf32, #tpu.memory_space<vmem>>, vector<128x128xf32>
    %get3A_108 = arith.constant 0 : index
    %get3A_109 = arith.constant 0 : index
    %get3A_110 = vector.load %arg10[%get3A_108, %get3A_109] : memref<128x128xf32, #tpu.memory_space<vmem>>, vector<128x128xf32>
    %get3A_111 = arith.constant 0 : index
    %get3A_112 = arith.constant 0 : index
    %get3A_113 = vector.load %arg11[%get3A_111, %get3A_112] : memref<1x128xf32, #tpu.memory_space<vmem>>, vector<1x128xf32>
    %get3A_114 = arith.constant 0 : index
    %get3A_115 = arith.constant 0 : index
    %get3A_116 = vector.load %arg12[%get3A_114, %get3A_115] : memref<1x128xf32, #tpu.memory_space<vmem>>, vector<1x128xf32>
    %get3A_117 = arith.constant 0 : index
    %get3A_118 = arith.constant 0 : index
    %get3A_119 = vector.load %arg13[%get3A_117, %get3A_118] : memref<1x128xf32, #tpu.memory_space<vmem>>, vector<1x128xf32>
    %slice3A_120 = vector.extract_strided_slice %add3A_83 {offsets = [0, 0], sizes = [512, 128], strides = [1, 1]} : vector<1024x128xf32> to vector<512x128xf32>
    %dot_general3A = arith.constant dense<0.000000e+00> : vector<512x128xf32>
    %dot_general3A_121 = tpu.matmul %slice3A_120, %get3A_95, %dot_general3A {dimension_numbers = #tpu.dot_dimension_numbers<[1], [0], [0], [1], [0, 0, 1, 1], [], []>, transpose_lhs_hint = false} : vector<512x128xf32>, vector<128x128xf32>, vector<512x128xf32> -> vector<512x128xf32>
    %add3A_122 = vector.broadcast %get3A_113 : vector<1x128xf32> to vector<512x128xf32>
    %add3A_123 = arith.addf %dot_general3A_121, %add3A_122 : vector<512x128xf32>
    %logistic3A = arith.negf %add3A_123 : vector<512x128xf32>
    %logistic3A_124 = math.exp %logistic3A : vector<512x128xf32>
    %logistic3A_125 = arith.constant 1.000000e+00 : f32
    %logistic3A_126 = vector.broadcast %logistic3A_125 : f32 to vector<512x128xf32>
    %logistic3A_127 = arith.addf %logistic3A_126, %logistic3A_124 : vector<512x128xf32>
    %logistic3A_128 = arith.divf %logistic3A_126, %logistic3A_127 : vector<512x128xf32>
    %dot_general3A_129 = arith.constant dense<0.000000e+00> : vector<512x128xf32>
    %dot_general3A_130 = tpu.matmul %slice3A_120, %get3A_107, %dot_general3A_129 {dimension_numbers = #tpu.dot_dimension_numbers<[1], [0], [0], [1], [0, 0, 1, 1], [], []>, transpose_lhs_hint = false} : vector<512x128xf32>, vector<128x128xf32>, vector<512x128xf32> -> vector<512x128xf32>
    %add3A_131 = vector.broadcast %get3A_119 : vector<1x128xf32> to vector<512x128xf32>
    %add3A_132 = arith.addf %dot_general3A_130, %add3A_131 : vector<512x128xf32>
    %tanh3A = math.tanh %add3A_132 : vector<512x128xf32>
    %sub3A = arith.constant 1.000000e+00 : f32
    %sub3A_133 = vector.broadcast %sub3A : f32 to vector<512x128xf32>
    %sub3A_134 = arith.subf %sub3A_133, %logistic3A_128 : vector<512x128xf32>
    %mul3A_135 = arith.mulf %sub3A_134, %tanh3A : vector<512x128xf32>
    %slice3A_136 = vector.extract_strided_slice %add3A_83 {offsets = [512, 0], sizes = [256, 128], strides = [1, 1]} : vector<1024x128xf32> to vector<256x128xf32>
    %dot_general3A_137 = arith.constant dense<0.000000e+00> : vector<256x128xf32>
    %dot_general3A_138 = tpu.matmul %slice3A_136, %get3A_86, %dot_general3A_137 {dimension_numbers = #tpu.dot_dimension_numbers<[1], [0], [0], [1], [0, 0, 1, 1], [], []>, transpose_lhs_hint = false} : vector<256x128xf32>, vector<128x128xf32>, vector<256x128xf32> -> vector<256x128xf32>
    %logistic3A_139 = arith.negf %dot_general3A_138 : vector<256x128xf32>
    %logistic3A_140 = math.exp %logistic3A_139 : vector<256x128xf32>
    %logistic3A_141 = arith.constant 1.000000e+00 : f32
    %logistic3A_142 = vector.broadcast %logistic3A_141 : f32 to vector<256x128xf32>
    %logistic3A_143 = arith.addf %logistic3A_142, %logistic3A_140 : vector<256x128xf32>
    %logistic3A_144 = arith.divf %logistic3A_142, %logistic3A_143 : vector<256x128xf32>
    %dot_general3A_145 = arith.constant dense<0.000000e+00> : vector<512x128xf32>
    %dot_general3A_146 = tpu.matmul %mul3A_135, %get3A_89, %dot_general3A_145 {dimension_numbers = #tpu.dot_dimension_numbers<[1], [0], [0], [1], [0, 0, 1, 1], [], []>, transpose_lhs_hint = false} : vector<512x128xf32>, vector<128x128xf32>, vector<512x128xf32> -> vector<512x128xf32>
    %reshape3A = vector.shape_cast %dot_general3A_146 : vector<512x128xf32> to vector<256x2x128xf32>
    %dot_general3A_147 = arith.constant dense<0.000000e+00> : vector<512x128xf32>
    %dot_general3A_148 = tpu.matmul %mul3A_135, %get3A_92, %dot_general3A_147 {dimension_numbers = #tpu.dot_dimension_numbers<[1], [0], [0], [1], [0, 0, 1, 1], [], []>, transpose_lhs_hint = false} : vector<512x128xf32>, vector<128x128xf32>, vector<512x128xf32> -> vector<512x128xf32>
    %reshape3A_149 = vector.shape_cast %dot_general3A_148 : vector<512x128xf32> to vector<256x2x128xf32>
    %slice3A_150 = vector.extract_strided_slice %reshape3A {offsets = [0, 0, 0], sizes = [256, 1, 128], strides = [1, 1, 1]} : vector<256x2x128xf32> to vector<256x1x128xf32>
    %squeeze3A_151 = vector.shape_cast %slice3A_150 : vector<256x1x128xf32> to vector<256x128xf32>
    %slice3A_152 = vector.extract_strided_slice %reshape3A {offsets = [0, 1, 0], sizes = [256, 1, 128], strides = [1, 1, 1]} : vector<256x2x128xf32> to vector<256x1x128xf32>
    %squeeze3A_153 = vector.shape_cast %slice3A_152 : vector<256x1x128xf32> to vector<256x128xf32>
    %sub3A_154 = arith.subf %squeeze3A_151, %squeeze3A_153 : vector<256x128xf32>
    %mul3A_155 = arith.mulf %logistic3A_144, %sub3A_154 : vector<256x128xf32>
    %reduce_sum3A = arith.constant dense<0.000000e+00> : vector<256xf32>
    %reduce_sum3A_156 = vector.multi_reduction <add>, %mul3A_155, %reduce_sum3A [1] : vector<256x128xf32> to vector<256xf32>
    %broadcast_in_dim3A_157 = vector.shape_cast %reduce_sum3A_156 : vector<256xf32> to vector<256x1xf32>
    %mul3A_158 = arith.constant 0.0883883461 : f32
    %mul3A_159 = vector.broadcast %mul3A_158 : f32 to vector<256x1xf32>
    %mul3A_160 = arith.mulf %broadcast_in_dim3A_157, %mul3A_159 : vector<256x1xf32>
    %logistic3A_161 = arith.negf %mul3A_160 : vector<256x1xf32>
    %logistic3A_162 = math.exp %logistic3A_161 : vector<256x1xf32>
    %logistic3A_163 = arith.constant 1.000000e+00 : f32
    %logistic3A_164 = vector.broadcast %logistic3A_163 : f32 to vector<256x1xf32>
    %logistic3A_165 = arith.addf %logistic3A_164, %logistic3A_162 : vector<256x1xf32>
    %logistic3A_166 = arith.divf %logistic3A_164, %logistic3A_165 : vector<256x1xf32>
    %slice3A_167 = vector.extract_strided_slice %reshape3A_149 {offsets = [0, 0, 0], sizes = [256, 1, 128], strides = [1, 1, 1]} : vector<256x2x128xf32> to vector<256x1x128xf32>
    %squeeze3A_168 = vector.shape_cast %slice3A_167 : vector<256x1x128xf32> to vector<256x128xf32>
    %mul3A_169 = vector.broadcast %logistic3A_166 : vector<256x1xf32> to vector<256x128xf32>
    %mul3A_170 = arith.mulf %mul3A_169, %squeeze3A_168 : vector<256x128xf32>
    %sub3A_171 = arith.constant 1.000000e+00 : f32
    %sub3A_172 = vector.broadcast %sub3A_171 : f32 to vector<256x1xf32>
    %sub3A_173 = arith.subf %sub3A_172, %logistic3A_166 : vector<256x1xf32>
    %slice3A_174 = vector.extract_strided_slice %reshape3A_149 {offsets = [0, 1, 0], sizes = [256, 1, 128], strides = [1, 1, 1]} : vector<256x2x128xf32> to vector<256x1x128xf32>
    %squeeze3A_175 = vector.shape_cast %slice3A_174 : vector<256x1x128xf32> to vector<256x128xf32>
    %mul3A_176 = vector.broadcast %sub3A_173 : vector<256x1xf32> to vector<256x128xf32>
    %mul3A_177 = arith.mulf %mul3A_176, %squeeze3A_175 : vector<256x128xf32>
    %add3A_178 = arith.addf %mul3A_170, %mul3A_177 : vector<256x128xf32>
    %dot_general3A_179 = arith.constant dense<0.000000e+00> : vector<256x128xf32>
    %dot_general3A_180 = tpu.matmul %slice3A_136, %get3A_95, %dot_general3A_179 {dimension_numbers = #tpu.dot_dimension_numbers<[1], [0], [0], [1], [0, 0, 1, 1], [], []>, transpose_lhs_hint = false} : vector<256x128xf32>, vector<128x128xf32>, vector<256x128xf32> -> vector<256x128xf32>
    %dot_general3A_181 = arith.constant dense<0.000000e+00> : vector<256x128xf32>
    %dot_general3A_182 = tpu.matmul %add3A_178, %get3A_98, %dot_general3A_181 {dimension_numbers = #tpu.dot_dimension_numbers<[1], [0], [0], [1], [0, 0, 1, 1], [], []>, transpose_lhs_hint = false} : vector<256x128xf32>, vector<128x128xf32>, vector<256x128xf32> -> vector<256x128xf32>
    %add3A_183 = arith.addf %dot_general3A_180, %dot_general3A_182 : vector<256x128xf32>
    %add3A_184 = vector.broadcast %get3A_113 : vector<1x128xf32> to vector<256x128xf32>
    %add3A_185 = arith.addf %add3A_183, %add3A_184 : vector<256x128xf32>
    %logistic3A_186 = arith.negf %add3A_185 : vector<256x128xf32>
    %logistic3A_187 = math.exp %logistic3A_186 : vector<256x128xf32>
    %logistic3A_188 = arith.constant 1.000000e+00 : f32
    %logistic3A_189 = vector.broadcast %logistic3A_188 : f32 to vector<256x128xf32>
    %logistic3A_190 = arith.addf %logistic3A_189, %logistic3A_187 : vector<256x128xf32>
    %logistic3A_191 = arith.divf %logistic3A_189, %logistic3A_190 : vector<256x128xf32>
    %dot_general3A_192 = arith.constant dense<0.000000e+00> : vector<256x128xf32>
    %dot_general3A_193 = tpu.matmul %slice3A_136, %get3A_101, %dot_general3A_192 {dimension_numbers = #tpu.dot_dimension_numbers<[1], [0], [0], [1], [0, 0, 1, 1], [], []>, transpose_lhs_hint = false} : vector<256x128xf32>, vector<128x128xf32>, vector<256x128xf32> -> vector<256x128xf32>
    %dot_general3A_194 = arith.constant dense<0.000000e+00> : vector<256x128xf32>
    %dot_general3A_195 = tpu.matmul %add3A_178, %get3A_104, %dot_general3A_194 {dimension_numbers = #tpu.dot_dimension_numbers<[1], [0], [0], [1], [0, 0, 1, 1], [], []>, transpose_lhs_hint = false} : vector<256x128xf32>, vector<128x128xf32>, vector<256x128xf32> -> vector<256x128xf32>
    %add3A_196 = arith.addf %dot_general3A_193, %dot_general3A_195 : vector<256x128xf32>
    %add3A_197 = vector.broadcast %get3A_116 : vector<1x128xf32> to vector<256x128xf32>
    %add3A_198 = arith.addf %add3A_196, %add3A_197 : vector<256x128xf32>
    %logistic3A_199 = arith.negf %add3A_198 : vector<256x128xf32>
    %logistic3A_200 = math.exp %logistic3A_199 : vector<256x128xf32>
    %logistic3A_201 = arith.constant 1.000000e+00 : f32
    %logistic3A_202 = vector.broadcast %logistic3A_201 : f32 to vector<256x128xf32>
    %logistic3A_203 = arith.addf %logistic3A_202, %logistic3A_200 : vector<256x128xf32>
    %logistic3A_204 = arith.divf %logistic3A_202, %logistic3A_203 : vector<256x128xf32>
    %dot_general3A_205 = arith.constant dense<0.000000e+00> : vector<256x128xf32>
    %dot_general3A_206 = tpu.matmul %slice3A_136, %get3A_107, %dot_general3A_205 {dimension_numbers = #tpu.dot_dimension_numbers<[1], [0], [0], [1], [0, 0, 1, 1], [], []>, transpose_lhs_hint = false} : vector<256x128xf32>, vector<128x128xf32>, vector<256x128xf32> -> vector<256x128xf32>
    %mul3A_207 = arith.mulf %add3A_178, %logistic3A_204 : vector<256x128xf32>
    %dot_general3A_208 = arith.constant dense<0.000000e+00> : vector<256x128xf32>
    %dot_general3A_209 = tpu.matmul %mul3A_207, %get3A_110, %dot_general3A_208 {dimension_numbers = #tpu.dot_dimension_numbers<[1], [0], [0], [1], [0, 0, 1, 1], [], []>, transpose_lhs_hint = false} : vector<256x128xf32>, vector<128x128xf32>, vector<256x128xf32> -> vector<256x128xf32>
    %add3A_210 = arith.addf %dot_general3A_206, %dot_general3A_209 : vector<256x128xf32>
    %add3A_211 = vector.broadcast %get3A_119 : vector<1x128xf32> to vector<256x128xf32>
    %add3A_212 = arith.addf %add3A_210, %add3A_211 : vector<256x128xf32>
    %tanh3A_213 = math.tanh %add3A_212 : vector<256x128xf32>
    %mul3A_214 = arith.mulf %logistic3A_191, %add3A_178 : vector<256x128xf32>
    %sub3A_215 = arith.constant 1.000000e+00 : f32
    %sub3A_216 = vector.broadcast %sub3A_215 : f32 to vector<256x128xf32>
    %sub3A_217 = arith.subf %sub3A_216, %logistic3A_191 : vector<256x128xf32>
    %mul3A_218 = arith.mulf %sub3A_217, %tanh3A_213 : vector<256x128xf32>
    %add3A_219 = arith.addf %mul3A_214, %mul3A_218 : vector<256x128xf32>
    %slice3A_220 = vector.extract_strided_slice %add3A_83 {offsets = [768, 0], sizes = [128, 128], strides = [1, 1]} : vector<1024x128xf32> to vector<128x128xf32>
    %dot_general3A_221 = arith.constant dense<0.000000e+00> : vector<128x128xf32>
    %dot_general3A_222 = tpu.matmul %slice3A_220, %get3A_86, %dot_general3A_221 {dimension_numbers = #tpu.dot_dimension_numbers<[1], [0], [0], [1], [0, 0, 1, 1], [], []>, transpose_lhs_hint = false} : vector<128x128xf32>, vector<128x128xf32>, vector<128x128xf32> -> vector<128x128xf32>
    %logistic3A_223 = arith.negf %dot_general3A_222 : vector<128x128xf32>
    %logistic3A_224 = math.exp %logistic3A_223 : vector<128x128xf32>
    %logistic3A_225 = arith.constant 1.000000e+00 : f32
    %logistic3A_226 = vector.broadcast %logistic3A_225 : f32 to vector<128x128xf32>
    %logistic3A_227 = arith.addf %logistic3A_226, %logistic3A_224 : vector<128x128xf32>
    %logistic3A_228 = arith.divf %logistic3A_226, %logistic3A_227 : vector<128x128xf32>
    %dot_general3A_229 = arith.constant dense<0.000000e+00> : vector<256x128xf32>
    %dot_general3A_230 = tpu.matmul %add3A_219, %get3A_89, %dot_general3A_229 {dimension_numbers = #tpu.dot_dimension_numbers<[1], [0], [0], [1], [0, 0, 1, 1], [], []>, transpose_lhs_hint = false} : vector<256x128xf32>, vector<128x128xf32>, vector<256x128xf32> -> vector<256x128xf32>
    %reshape3A_231 = vector.shape_cast %dot_general3A_230 : vector<256x128xf32> to vector<128x2x128xf32>
    %dot_general3A_232 = arith.constant dense<0.000000e+00> : vector<256x128xf32>
    %dot_general3A_233 = tpu.matmul %add3A_219, %get3A_92, %dot_general3A_232 {dimension_numbers = #tpu.dot_dimension_numbers<[1], [0], [0], [1], [0, 0, 1, 1], [], []>, transpose_lhs_hint = false} : vector<256x128xf32>, vector<128x128xf32>, vector<256x128xf32> -> vector<256x128xf32>
    %reshape3A_234 = vector.shape_cast %dot_general3A_233 : vector<256x128xf32> to vector<128x2x128xf32>
    %slice3A_235 = vector.extract_strided_slice %reshape3A_231 {offsets = [0, 0, 0], sizes = [128, 1, 128], strides = [1, 1, 1]} : vector<128x2x128xf32> to vector<128x1x128xf32>
    %squeeze3A_236 = vector.shape_cast %slice3A_235 : vector<128x1x128xf32> to vector<128x128xf32>
    %slice3A_237 = vector.extract_strided_slice %reshape3A_231 {offsets = [0, 1, 0], sizes = [128, 1, 128], strides = [1, 1, 1]} : vector<128x2x128xf32> to vector<128x1x128xf32>
    %squeeze3A_238 = vector.shape_cast %slice3A_237 : vector<128x1x128xf32> to vector<128x128xf32>
    %sub3A_239 = arith.subf %squeeze3A_236, %squeeze3A_238 : vector<128x128xf32>
    %mul3A_240 = arith.mulf %logistic3A_228, %sub3A_239 : vector<128x128xf32>
    %reduce_sum3A_241 = arith.constant dense<0.000000e+00> : vector<128xf32>
    %reduce_sum3A_242 = vector.multi_reduction <add>, %mul3A_240, %reduce_sum3A_241 [1] : vector<128x128xf32> to vector<128xf32>
    %broadcast_in_dim3A_243 = vector.shape_cast %reduce_sum3A_242 : vector<128xf32> to vector<128x1xf32>
    %mul3A_244 = arith.constant 0.0883883461 : f32
    %mul3A_245 = vector.broadcast %mul3A_244 : f32 to vector<128x1xf32>
    %mul3A_246 = arith.mulf %broadcast_in_dim3A_243, %mul3A_245 : vector<128x1xf32>
    %logistic3A_247 = arith.negf %mul3A_246 : vector<128x1xf32>
    %logistic3A_248 = math.exp %logistic3A_247 : vector<128x1xf32>
    %logistic3A_249 = arith.constant 1.000000e+00 : f32
    %logistic3A_250 = vector.broadcast %logistic3A_249 : f32 to vector<128x1xf32>
    %logistic3A_251 = arith.addf %logistic3A_250, %logistic3A_248 : vector<128x1xf32>
    %logistic3A_252 = arith.divf %logistic3A_250, %logistic3A_251 : vector<128x1xf32>
    %slice3A_253 = vector.extract_strided_slice %reshape3A_234 {offsets = [0, 0, 0], sizes = [128, 1, 128], strides = [1, 1, 1]} : vector<128x2x128xf32> to vector<128x1x128xf32>
    %squeeze3A_254 = vector.shape_cast %slice3A_253 : vector<128x1x128xf32> to vector<128x128xf32>
    %mul3A_255 = vector.broadcast %logistic3A_252 : vector<128x1xf32> to vector<128x128xf32>
    %mul3A_256 = arith.mulf %mul3A_255, %squeeze3A_254 : vector<128x128xf32>
    %sub3A_257 = arith.constant 1.000000e+00 : f32
    %sub3A_258 = vector.broadcast %sub3A_257 : f32 to vector<128x1xf32>
    %sub3A_259 = arith.subf %sub3A_258, %logistic3A_252 : vector<128x1xf32>
    %slice3A_260 = vector.extract_strided_slice %reshape3A_234 {offsets = [0, 1, 0], sizes = [128, 1, 128], strides = [1, 1, 1]} : vector<128x2x128xf32> to vector<128x1x128xf32>
    %squeeze3A_261 = vector.shape_cast %slice3A_260 : vector<128x1x128xf32> to vector<128x128xf32>
    %mul3A_262 = vector.broadcast %sub3A_259 : vector<128x1xf32> to vector<128x128xf32>
    %mul3A_263 = arith.mulf %mul3A_262, %squeeze3A_261 : vector<128x128xf32>
    %add3A_264 = arith.addf %mul3A_256, %mul3A_263 : vector<128x128xf32>
    %dot_general3A_265 = arith.constant dense<0.000000e+00> : vector<128x128xf32>
    %dot_general3A_266 = tpu.matmul %slice3A_220, %get3A_95, %dot_general3A_265 {dimension_numbers = #tpu.dot_dimension_numbers<[1], [0], [0], [1], [0, 0, 1, 1], [], []>, transpose_lhs_hint = false} : vector<128x128xf32>, vector<128x128xf32>, vector<128x128xf32> -> vector<128x128xf32>
    %dot_general3A_267 = arith.constant dense<0.000000e+00> : vector<128x128xf32>
    %dot_general3A_268 = tpu.matmul %add3A_264, %get3A_98, %dot_general3A_267 {dimension_numbers = #tpu.dot_dimension_numbers<[1], [0], [0], [1], [0, 0, 1, 1], [], []>, transpose_lhs_hint = false} : vector<128x128xf32>, vector<128x128xf32>, vector<128x128xf32> -> vector<128x128xf32>
    %add3A_269 = arith.addf %dot_general3A_266, %dot_general3A_268 : vector<128x128xf32>
    %add3A_270 = vector.broadcast %get3A_113 : vector<1x128xf32> to vector<128x128xf32>
    %add3A_271 = arith.addf %add3A_269, %add3A_270 : vector<128x128xf32>
    %logistic3A_272 = arith.negf %add3A_271 : vector<128x128xf32>
    %logistic3A_273 = math.exp %logistic3A_272 : vector<128x128xf32>
    %logistic3A_274 = arith.constant 1.000000e+00 : f32
    %logistic3A_275 = vector.broadcast %logistic3A_274 : f32 to vector<128x128xf32>
    %logistic3A_276 = arith.addf %logistic3A_275, %logistic3A_273 : vector<128x128xf32>
    %logistic3A_277 = arith.divf %logistic3A_275, %logistic3A_276 : vector<128x128xf32>
    %dot_general3A_278 = arith.constant dense<0.000000e+00> : vector<128x128xf32>
    %dot_general3A_279 = tpu.matmul %slice3A_220, %get3A_101, %dot_general3A_278 {dimension_numbers = #tpu.dot_dimension_numbers<[1], [0], [0], [1], [0, 0, 1, 1], [], []>, transpose_lhs_hint = false} : vector<128x128xf32>, vector<128x128xf32>, vector<128x128xf32> -> vector<128x128xf32>
    %dot_general3A_280 = arith.constant dense<0.000000e+00> : vector<128x128xf32>
    %dot_general3A_281 = tpu.matmul %add3A_264, %get3A_104, %dot_general3A_280 {dimension_numbers = #tpu.dot_dimension_numbers<[1], [0], [0], [1], [0, 0, 1, 1], [], []>, transpose_lhs_hint = false} : vector<128x128xf32>, vector<128x128xf32>, vector<128x128xf32> -> vector<128x128xf32>
    %add3A_282 = arith.addf %dot_general3A_279, %dot_general3A_281 : vector<128x128xf32>
    %add3A_283 = vector.broadcast %get3A_116 : vector<1x128xf32> to vector<128x128xf32>
    %add3A_284 = arith.addf %add3A_282, %add3A_283 : vector<128x128xf32>
    %logistic3A_285 = arith.negf %add3A_284 : vector<128x128xf32>
    %logistic3A_286 = math.exp %logistic3A_285 : vector<128x128xf32>
    %logistic3A_287 = arith.constant 1.000000e+00 : f32
    %logistic3A_288 = vector.broadcast %logistic3A_287 : f32 to vector<128x128xf32>
    %logistic3A_289 = arith.addf %logistic3A_288, %logistic3A_286 : vector<128x128xf32>
    %logistic3A_290 = arith.divf %logistic3A_288, %logistic3A_289 : vector<128x128xf32>
    %dot_general3A_291 = arith.constant dense<0.000000e+00> : vector<128x128xf32>
    %dot_general3A_292 = tpu.matmul %slice3A_220, %get3A_107, %dot_general3A_291 {dimension_numbers = #tpu.dot_dimension_numbers<[1], [0], [0], [1], [0, 0, 1, 1], [], []>, transpose_lhs_hint = false} : vector<128x128xf32>, vector<128x128xf32>, vector<128x128xf32> -> vector<128x128xf32>
    %mul3A_293 = arith.mulf %add3A_264, %logistic3A_290 : vector<128x128xf32>
    %dot_general3A_294 = arith.constant dense<0.000000e+00> : vector<128x128xf32>
    %dot_general3A_295 = tpu.matmul %mul3A_293, %get3A_110, %dot_general3A_294 {dimension_numbers = #tpu.dot_dimension_numbers<[1], [0], [0], [1], [0, 0, 1, 1], [], []>, transpose_lhs_hint = false} : vector<128x128xf32>, vector<128x128xf32>, vector<128x128xf32> -> vector<128x128xf32>
    %add3A_296 = arith.addf %dot_general3A_292, %dot_general3A_295 : vector<128x128xf32>
    %add3A_297 = vector.broadcast %get3A_119 : vector<1x128xf32> to vector<128x128xf32>
    %add3A_298 = arith.addf %add3A_296, %add3A_297 : vector<128x128xf32>
    %tanh3A_299 = math.tanh %add3A_298 : vector<128x128xf32>
    %mul3A_300 = arith.mulf %logistic3A_277, %add3A_264 : vector<128x128xf32>
    %sub3A_301 = arith.constant 1.000000e+00 : f32
    %sub3A_302 = vector.broadcast %sub3A_301 : f32 to vector<128x128xf32>
    %sub3A_303 = arith.subf %sub3A_302, %logistic3A_277 : vector<128x128xf32>
    %mul3A_304 = arith.mulf %sub3A_303, %tanh3A_299 : vector<128x128xf32>
    %add3A_305 = arith.addf %mul3A_300, %mul3A_304 : vector<128x128xf32>
    %slice3A_306 = vector.extract_strided_slice %add3A_83 {offsets = [896, 0], sizes = [64, 128], strides = [1, 1]} : vector<1024x128xf32> to vector<64x128xf32>
    %dot_general3A_307 = arith.constant dense<0.000000e+00> : vector<64x128xf32>
    %dot_general3A_308 = tpu.matmul %slice3A_306, %get3A_86, %dot_general3A_307 {dimension_numbers = #tpu.dot_dimension_numbers<[1], [0], [0], [1], [0, 0, 1, 1], [], []>, transpose_lhs_hint = false} : vector<64x128xf32>, vector<128x128xf32>, vector<64x128xf32> -> vector<64x128xf32>
    %logistic3A_309 = arith.negf %dot_general3A_308 : vector<64x128xf32>
    %logistic3A_310 = math.exp %logistic3A_309 : vector<64x128xf32>
    %logistic3A_311 = arith.constant 1.000000e+00 : f32
    %logistic3A_312 = vector.broadcast %logistic3A_311 : f32 to vector<64x128xf32>
    %logistic3A_313 = arith.addf %logistic3A_312, %logistic3A_310 : vector<64x128xf32>
    %logistic3A_314 = arith.divf %logistic3A_312, %logistic3A_313 : vector<64x128xf32>
    %dot_general3A_315 = arith.constant dense<0.000000e+00> : vector<128x128xf32>
    %dot_general3A_316 = tpu.matmul %add3A_305, %get3A_89, %dot_general3A_315 {dimension_numbers = #tpu.dot_dimension_numbers<[1], [0], [0], [1], [0, 0, 1, 1], [], []>, transpose_lhs_hint = false} : vector<128x128xf32>, vector<128x128xf32>, vector<128x128xf32> -> vector<128x128xf32>
    %reshape3A_317 = vector.shape_cast %dot_general3A_316 : vector<128x128xf32> to vector<64x2x128xf32>
    %dot_general3A_318 = arith.constant dense<0.000000e+00> : vector<128x128xf32>
    %dot_general3A_319 = tpu.matmul %add3A_305, %get3A_92, %dot_general3A_318 {dimension_numbers = #tpu.dot_dimension_numbers<[1], [0], [0], [1], [0, 0, 1, 1], [], []>, transpose_lhs_hint = false} : vector<128x128xf32>, vector<128x128xf32>, vector<128x128xf32> -> vector<128x128xf32>
    %reshape3A_320 = vector.shape_cast %dot_general3A_319 : vector<128x128xf32> to vector<64x2x128xf32>
    %slice3A_321 = vector.extract_strided_slice %reshape3A_317 {offsets = [0, 0, 0], sizes = [64, 1, 128], strides = [1, 1, 1]} : vector<64x2x128xf32> to vector<64x1x128xf32>
    %squeeze3A_322 = vector.shape_cast %slice3A_321 : vector<64x1x128xf32> to vector<64x128xf32>
    %slice3A_323 = vector.extract_strided_slice %reshape3A_317 {offsets = [0, 1, 0], sizes = [64, 1, 128], strides = [1, 1, 1]} : vector<64x2x128xf32> to vector<64x1x128xf32>
    %squeeze3A_324 = vector.shape_cast %slice3A_323 : vector<64x1x128xf32> to vector<64x128xf32>
    %sub3A_325 = arith.subf %squeeze3A_322, %squeeze3A_324 : vector<64x128xf32>
    %mul3A_326 = arith.mulf %logistic3A_314, %sub3A_325 : vector<64x128xf32>
    %reduce_sum3A_327 = arith.constant dense<0.000000e+00> : vector<64xf32>
    %reduce_sum3A_328 = vector.multi_reduction <add>, %mul3A_326, %reduce_sum3A_327 [1] : vector<64x128xf32> to vector<64xf32>
    %broadcast_in_dim3A_329 = vector.shape_cast %reduce_sum3A_328 : vector<64xf32> to vector<64x1xf32>
    %mul3A_330 = arith.constant 0.0883883461 : f32
    %mul3A_331 = vector.broadcast %mul3A_330 : f32 to vector<64x1xf32>
    %mul3A_332 = arith.mulf %broadcast_in_dim3A_329, %mul3A_331 : vector<64x1xf32>
    %logistic3A_333 = arith.negf %mul3A_332 : vector<64x1xf32>
    %logistic3A_334 = math.exp %logistic3A_333 : vector<64x1xf32>
    %logistic3A_335 = arith.constant 1.000000e+00 : f32
    %logistic3A_336 = vector.broadcast %logistic3A_335 : f32 to vector<64x1xf32>
    %logistic3A_337 = arith.addf %logistic3A_336, %logistic3A_334 : vector<64x1xf32>
    %logistic3A_338 = arith.divf %logistic3A_336, %logistic3A_337 : vector<64x1xf32>
    %slice3A_339 = vector.extract_strided_slice %reshape3A_320 {offsets = [0, 0, 0], sizes = [64, 1, 128], strides = [1, 1, 1]} : vector<64x2x128xf32> to vector<64x1x128xf32>
    %squeeze3A_340 = vector.shape_cast %slice3A_339 : vector<64x1x128xf32> to vector<64x128xf32>
    %mul3A_341 = vector.broadcast %logistic3A_338 : vector<64x1xf32> to vector<64x128xf32>
    %mul3A_342 = arith.mulf %mul3A_341, %squeeze3A_340 : vector<64x128xf32>
    %sub3A_343 = arith.constant 1.000000e+00 : f32
    %sub3A_344 = vector.broadcast %sub3A_343 : f32 to vector<64x1xf32>
    %sub3A_345 = arith.subf %sub3A_344, %logistic3A_338 : vector<64x1xf32>
    %slice3A_346 = vector.extract_strided_slice %reshape3A_320 {offsets = [0, 1, 0], sizes = [64, 1, 128], strides = [1, 1, 1]} : vector<64x2x128xf32> to vector<64x1x128xf32>
    %squeeze3A_347 = vector.shape_cast %slice3A_346 : vector<64x1x128xf32> to vector<64x128xf32>
    %mul3A_348 = vector.broadcast %sub3A_345 : vector<64x1xf32> to vector<64x128xf32>
    %mul3A_349 = arith.mulf %mul3A_348, %squeeze3A_347 : vector<64x128xf32>
    %add3A_350 = arith.addf %mul3A_342, %mul3A_349 : vector<64x128xf32>
    %dot_general3A_351 = arith.constant dense<0.000000e+00> : vector<64x128xf32>
    %dot_general3A_352 = tpu.matmul %slice3A_306, %get3A_95, %dot_general3A_351 {dimension_numbers = #tpu.dot_dimension_numbers<[1], [0], [0], [1], [0, 0, 1, 1], [], []>, transpose_lhs_hint = false} : vector<64x128xf32>, vector<128x128xf32>, vector<64x128xf32> -> vector<64x128xf32>
    %dot_general3A_353 = arith.constant dense<0.000000e+00> : vector<64x128xf32>
    %dot_general3A_354 = tpu.matmul %add3A_350, %get3A_98, %dot_general3A_353 {dimension_numbers = #tpu.dot_dimension_numbers<[1], [0], [0], [1], [0, 0, 1, 1], [], []>, transpose_lhs_hint = false} : vector<64x128xf32>, vector<128x128xf32>, vector<64x128xf32> -> vector<64x128xf32>
    %add3A_355 = arith.addf %dot_general3A_352, %dot_general3A_354 : vector<64x128xf32>
    %add3A_356 = vector.broadcast %get3A_113 : vector<1x128xf32> to vector<64x128xf32>
    %add3A_357 = arith.addf %add3A_355, %add3A_356 : vector<64x128xf32>
    %logistic3A_358 = arith.negf %add3A_357 : vector<64x128xf32>
    %logistic3A_359 = math.exp %logistic3A_358 : vector<64x128xf32>
    %logistic3A_360 = arith.constant 1.000000e+00 : f32
    %logistic3A_361 = vector.broadcast %logistic3A_360 : f32 to vector<64x128xf32>
    %logistic3A_362 = arith.addf %logistic3A_361, %logistic3A_359 : vector<64x128xf32>
    %logistic3A_363 = arith.divf %logistic3A_361, %logistic3A_362 : vector<64x128xf32>
    %dot_general3A_364 = arith.constant dense<0.000000e+00> : vector<64x128xf32>
    %dot_general3A_365 = tpu.matmul %slice3A_306, %get3A_101, %dot_general3A_364 {dimension_numbers = #tpu.dot_dimension_numbers<[1], [0], [0], [1], [0, 0, 1, 1], [], []>, transpose_lhs_hint = false} : vector<64x128xf32>, vector<128x128xf32>, vector<64x128xf32> -> vector<64x128xf32>
    %dot_general3A_366 = arith.constant dense<0.000000e+00> : vector<64x128xf32>
    %dot_general3A_367 = tpu.matmul %add3A_350, %get3A_104, %dot_general3A_366 {dimension_numbers = #tpu.dot_dimension_numbers<[1], [0], [0], [1], [0, 0, 1, 1], [], []>, transpose_lhs_hint = false} : vector<64x128xf32>, vector<128x128xf32>, vector<64x128xf32> -> vector<64x128xf32>
    %add3A_368 = arith.addf %dot_general3A_365, %dot_general3A_367 : vector<64x128xf32>
    %add3A_369 = vector.broadcast %get3A_116 : vector<1x128xf32> to vector<64x128xf32>
    %add3A_370 = arith.addf %add3A_368, %add3A_369 : vector<64x128xf32>
    %logistic3A_371 = arith.negf %add3A_370 : vector<64x128xf32>
    %logistic3A_372 = math.exp %logistic3A_371 : vector<64x128xf32>
    %logistic3A_373 = arith.constant 1.000000e+00 : f32
    %logistic3A_374 = vector.broadcast %logistic3A_373 : f32 to vector<64x128xf32>
    %logistic3A_375 = arith.addf %logistic3A_374, %logistic3A_372 : vector<64x128xf32>
    %logistic3A_376 = arith.divf %logistic3A_374, %logistic3A_375 : vector<64x128xf32>
    %dot_general3A_377 = arith.constant dense<0.000000e+00> : vector<64x128xf32>
    %dot_general3A_378 = tpu.matmul %slice3A_306, %get3A_107, %dot_general3A_377 {dimension_numbers = #tpu.dot_dimension_numbers<[1], [0], [0], [1], [0, 0, 1, 1], [], []>, transpose_lhs_hint = false} : vector<64x128xf32>, vector<128x128xf32>, vector<64x128xf32> -> vector<64x128xf32>
    %mul3A_379 = arith.mulf %add3A_350, %logistic3A_376 : vector<64x128xf32>
    %dot_general3A_380 = arith.constant dense<0.000000e+00> : vector<64x128xf32>
    %dot_general3A_381 = tpu.matmul %mul3A_379, %get3A_110, %dot_general3A_380 {dimension_numbers = #tpu.dot_dimension_numbers<[1], [0], [0], [1], [0, 0, 1, 1], [], []>, transpose_lhs_hint = false} : vector<64x128xf32>, vector<128x128xf32>, vector<64x128xf32> -> vector<64x128xf32>
    %add3A_382 = arith.addf %dot_general3A_378, %dot_general3A_381 : vector<64x128xf32>
    %add3A_383 = vector.broadcast %get3A_119 : vector<1x128xf32> to vector<64x128xf32>
    %add3A_384 = arith.addf %add3A_382, %add3A_383 : vector<64x128xf32>
    %tanh3A_385 = math.tanh %add3A_384 : vector<64x128xf32>
    %mul3A_386 = arith.mulf %logistic3A_363, %add3A_350 : vector<64x128xf32>
    %sub3A_387 = arith.constant 1.000000e+00 : f32
    %sub3A_388 = vector.broadcast %sub3A_387 : f32 to vector<64x128xf32>
    %sub3A_389 = arith.subf %sub3A_388, %logistic3A_363 : vector<64x128xf32>
    %mul3A_390 = arith.mulf %sub3A_389, %tanh3A_385 : vector<64x128xf32>
    %add3A_391 = arith.addf %mul3A_386, %mul3A_390 : vector<64x128xf32>
    %slice3A_392 = vector.extract_strided_slice %add3A_83 {offsets = [960, 0], sizes = [32, 128], strides = [1, 1]} : vector<1024x128xf32> to vector<32x128xf32>
    %dot_general3A_393 = arith.constant dense<0.000000e+00> : vector<32x128xf32>
    %dot_general3A_394 = tpu.matmul %slice3A_392, %get3A_86, %dot_general3A_393 {dimension_numbers = #tpu.dot_dimension_numbers<[1], [0], [0], [1], [0, 0, 1, 1], [], []>, transpose_lhs_hint = false} : vector<32x128xf32>, vector<128x128xf32>, vector<32x128xf32> -> vector<32x128xf32>
    %logistic3A_395 = arith.negf %dot_general3A_394 : vector<32x128xf32>
    %logistic3A_396 = math.exp %logistic3A_395 : vector<32x128xf32>
    %logistic3A_397 = arith.constant 1.000000e+00 : f32
    %logistic3A_398 = vector.broadcast %logistic3A_397 : f32 to vector<32x128xf32>
    %logistic3A_399 = arith.addf %logistic3A_398, %logistic3A_396 : vector<32x128xf32>
    %logistic3A_400 = arith.divf %logistic3A_398, %logistic3A_399 : vector<32x128xf32>
    %dot_general3A_401 = arith.constant dense<0.000000e+00> : vector<64x128xf32>
    %dot_general3A_402 = tpu.matmul %add3A_391, %get3A_89, %dot_general3A_401 {dimension_numbers = #tpu.dot_dimension_numbers<[1], [0], [0], [1], [0, 0, 1, 1], [], []>, transpose_lhs_hint = false} : vector<64x128xf32>, vector<128x128xf32>, vector<64x128xf32> -> vector<64x128xf32>
    %reshape3A_403 = vector.shape_cast %dot_general3A_402 : vector<64x128xf32> to vector<32x2x128xf32>
    %dot_general3A_404 = arith.constant dense<0.000000e+00> : vector<64x128xf32>
    %dot_general3A_405 = tpu.matmul %add3A_391, %get3A_92, %dot_general3A_404 {dimension_numbers = #tpu.dot_dimension_numbers<[1], [0], [0], [1], [0, 0, 1, 1], [], []>, transpose_lhs_hint = false} : vector<64x128xf32>, vector<128x128xf32>, vector<64x128xf32> -> vector<64x128xf32>
    %reshape3A_406 = vector.shape_cast %dot_general3A_405 : vector<64x128xf32> to vector<32x2x128xf32>
    %slice3A_407 = vector.extract_strided_slice %reshape3A_403 {offsets = [0, 0, 0], sizes = [32, 1, 128], strides = [1, 1, 1]} : vector<32x2x128xf32> to vector<32x1x128xf32>
    %squeeze3A_408 = vector.shape_cast %slice3A_407 : vector<32x1x128xf32> to vector<32x128xf32>
    %slice3A_409 = vector.extract_strided_slice %reshape3A_403 {offsets = [0, 1, 0], sizes = [32, 1, 128], strides = [1, 1, 1]} : vector<32x2x128xf32> to vector<32x1x128xf32>
    %squeeze3A_410 = vector.shape_cast %slice3A_409 : vector<32x1x128xf32> to vector<32x128xf32>
    %sub3A_411 = arith.subf %squeeze3A_408, %squeeze3A_410 : vector<32x128xf32>
    %mul3A_412 = arith.mulf %logistic3A_400, %sub3A_411 : vector<32x128xf32>
    %reduce_sum3A_413 = arith.constant dense<0.000000e+00> : vector<32xf32>
    %reduce_sum3A_414 = vector.multi_reduction <add>, %mul3A_412, %reduce_sum3A_413 [1] : vector<32x128xf32> to vector<32xf32>
    %broadcast_in_dim3A_415 = vector.shape_cast %reduce_sum3A_414 : vector<32xf32> to vector<32x1xf32>
    %mul3A_416 = arith.constant 0.0883883461 : f32
    %mul3A_417 = vector.broadcast %mul3A_416 : f32 to vector<32x1xf32>
    %mul3A_418 = arith.mulf %broadcast_in_dim3A_415, %mul3A_417 : vector<32x1xf32>
    %logistic3A_419 = arith.negf %mul3A_418 : vector<32x1xf32>
    %logistic3A_420 = math.exp %logistic3A_419 : vector<32x1xf32>
    %logistic3A_421 = arith.constant 1.000000e+00 : f32
    %logistic3A_422 = vector.broadcast %logistic3A_421 : f32 to vector<32x1xf32>
    %logistic3A_423 = arith.addf %logistic3A_422, %logistic3A_420 : vector<32x1xf32>
    %logistic3A_424 = arith.divf %logistic3A_422, %logistic3A_423 : vector<32x1xf32>
    %slice3A_425 = vector.extract_strided_slice %reshape3A_406 {offsets = [0, 0, 0], sizes = [32, 1, 128], strides = [1, 1, 1]} : vector<32x2x128xf32> to vector<32x1x128xf32>
    %squeeze3A_426 = vector.shape_cast %slice3A_425 : vector<32x1x128xf32> to vector<32x128xf32>
    %mul3A_427 = vector.broadcast %logistic3A_424 : vector<32x1xf32> to vector<32x128xf32>
    %mul3A_428 = arith.mulf %mul3A_427, %squeeze3A_426 : vector<32x128xf32>
    %sub3A_429 = arith.constant 1.000000e+00 : f32
    %sub3A_430 = vector.broadcast %sub3A_429 : f32 to vector<32x1xf32>
    %sub3A_431 = arith.subf %sub3A_430, %logistic3A_424 : vector<32x1xf32>
    %slice3A_432 = vector.extract_strided_slice %reshape3A_406 {offsets = [0, 1, 0], sizes = [32, 1, 128], strides = [1, 1, 1]} : vector<32x2x128xf32> to vector<32x1x128xf32>
    %squeeze3A_433 = vector.shape_cast %slice3A_432 : vector<32x1x128xf32> to vector<32x128xf32>
    %mul3A_434 = vector.broadcast %sub3A_431 : vector<32x1xf32> to vector<32x128xf32>
    %mul3A_435 = arith.mulf %mul3A_434, %squeeze3A_433 : vector<32x128xf32>
    %add3A_436 = arith.addf %mul3A_428, %mul3A_435 : vector<32x128xf32>
    %dot_general3A_437 = arith.constant dense<0.000000e+00> : vector<32x128xf32>
    %dot_general3A_438 = tpu.matmul %slice3A_392, %get3A_95, %dot_general3A_437 {dimension_numbers = #tpu.dot_dimension_numbers<[1], [0], [0], [1], [0, 0, 1, 1], [], []>, transpose_lhs_hint = false} : vector<32x128xf32>, vector<128x128xf32>, vector<32x128xf32> -> vector<32x128xf32>
    %dot_general3A_439 = arith.constant dense<0.000000e+00> : vector<32x128xf32>
    %dot_general3A_440 = tpu.matmul %add3A_436, %get3A_98, %dot_general3A_439 {dimension_numbers = #tpu.dot_dimension_numbers<[1], [0], [0], [1], [0, 0, 1, 1], [], []>, transpose_lhs_hint = false} : vector<32x128xf32>, vector<128x128xf32>, vector<32x128xf32> -> vector<32x128xf32>
    %add3A_441 = arith.addf %dot_general3A_438, %dot_general3A_440 : vector<32x128xf32>
    %add3A_442 = vector.broadcast %get3A_113 : vector<1x128xf32> to vector<32x128xf32>
    %add3A_443 = arith.addf %add3A_441, %add3A_442 : vector<32x128xf32>
    %logistic3A_444 = arith.negf %add3A_443 : vector<32x128xf32>
    %logistic3A_445 = math.exp %logistic3A_444 : vector<32x128xf32>
    %logistic3A_446 = arith.constant 1.000000e+00 : f32
    %logistic3A_447 = vector.broadcast %logistic3A_446 : f32 to vector<32x128xf32>
    %logistic3A_448 = arith.addf %logistic3A_447, %logistic3A_445 : vector<32x128xf32>
    %logistic3A_449 = arith.divf %logistic3A_447, %logistic3A_448 : vector<32x128xf32>
    %dot_general3A_450 = arith.constant dense<0.000000e+00> : vector<32x128xf32>
    %dot_general3A_451 = tpu.matmul %slice3A_392, %get3A_101, %dot_general3A_450 {dimension_numbers = #tpu.dot_dimension_numbers<[1], [0], [0], [1], [0, 0, 1, 1], [], []>, transpose_lhs_hint = false} : vector<32x128xf32>, vector<128x128xf32>, vector<32x128xf32> -> vector<32x128xf32>
    %dot_general3A_452 = arith.constant dense<0.000000e+00> : vector<32x128xf32>
    %dot_general3A_453 = tpu.matmul %add3A_436, %get3A_104, %dot_general3A_452 {dimension_numbers = #tpu.dot_dimension_numbers<[1], [0], [0], [1], [0, 0, 1, 1], [], []>, transpose_lhs_hint = false} : vector<32x128xf32>, vector<128x128xf32>, vector<32x128xf32> -> vector<32x128xf32>
    %add3A_454 = arith.addf %dot_general3A_451, %dot_general3A_453 : vector<32x128xf32>
    %add3A_455 = vector.broadcast %get3A_116 : vector<1x128xf32> to vector<32x128xf32>
    %add3A_456 = arith.addf %add3A_454, %add3A_455 : vector<32x128xf32>
    %logistic3A_457 = arith.negf %add3A_456 : vector<32x128xf32>
    %logistic3A_458 = math.exp %logistic3A_457 : vector<32x128xf32>
    %logistic3A_459 = arith.constant 1.000000e+00 : f32
    %logistic3A_460 = vector.broadcast %logistic3A_459 : f32 to vector<32x128xf32>
    %logistic3A_461 = arith.addf %logistic3A_460, %logistic3A_458 : vector<32x128xf32>
    %logistic3A_462 = arith.divf %logistic3A_460, %logistic3A_461 : vector<32x128xf32>
    %dot_general3A_463 = arith.constant dense<0.000000e+00> : vector<32x128xf32>
    %dot_general3A_464 = tpu.matmul %slice3A_392, %get3A_107, %dot_general3A_463 {dimension_numbers = #tpu.dot_dimension_numbers<[1], [0], [0], [1], [0, 0, 1, 1], [], []>, transpose_lhs_hint = false} : vector<32x128xf32>, vector<128x128xf32>, vector<32x128xf32> -> vector<32x128xf32>
    %mul3A_465 = arith.mulf %add3A_436, %logistic3A_462 : vector<32x128xf32>
    %dot_general3A_466 = arith.constant dense<0.000000e+00> : vector<32x128xf32>
    %dot_general3A_467 = tpu.matmul %mul3A_465, %get3A_110, %dot_general3A_466 {dimension_numbers = #tpu.dot_dimension_numbers<[1], [0], [0], [1], [0, 0, 1, 1], [], []>, transpose_lhs_hint = false} : vector<32x128xf32>, vector<128x128xf32>, vector<32x128xf32> -> vector<32x128xf32>
    %add3A_468 = arith.addf %dot_general3A_464, %dot_general3A_467 : vector<32x128xf32>
    %add3A_469 = vector.broadcast %get3A_119 : vector<1x128xf32> to vector<32x128xf32>
    %add3A_470 = arith.addf %add3A_468, %add3A_469 : vector<32x128xf32>
    %tanh3A_471 = math.tanh %add3A_470 : vector<32x128xf32>
    %mul3A_472 = arith.mulf %logistic3A_449, %add3A_436 : vector<32x128xf32>
    %sub3A_473 = arith.constant 1.000000e+00 : f32
    %sub3A_474 = vector.broadcast %sub3A_473 : f32 to vector<32x128xf32>
    %sub3A_475 = arith.subf %sub3A_474, %logistic3A_449 : vector<32x128xf32>
    %mul3A_476 = arith.mulf %sub3A_475, %tanh3A_471 : vector<32x128xf32>
    %add3A_477 = arith.addf %mul3A_472, %mul3A_476 : vector<32x128xf32>
    %slice3A_478 = vector.extract_strided_slice %add3A_83 {offsets = [992, 0], sizes = [16, 128], strides = [1, 1]} : vector<1024x128xf32> to vector<16x128xf32>
    %dot_general3A_479 = arith.constant dense<0.000000e+00> : vector<16x128xf32>
    %dot_general3A_480 = tpu.matmul %slice3A_478, %get3A_86, %dot_general3A_479 {dimension_numbers = #tpu.dot_dimension_numbers<[1], [0], [0], [1], [0, 0, 1, 1], [], []>, transpose_lhs_hint = false} : vector<16x128xf32>, vector<128x128xf32>, vector<16x128xf32> -> vector<16x128xf32>
    %logistic3A_481 = arith.negf %dot_general3A_480 : vector<16x128xf32>
    %logistic3A_482 = math.exp %logistic3A_481 : vector<16x128xf32>
    %logistic3A_483 = arith.constant 1.000000e+00 : f32
    %logistic3A_484 = vector.broadcast %logistic3A_483 : f32 to vector<16x128xf32>
    %logistic3A_485 = arith.addf %logistic3A_484, %logistic3A_482 : vector<16x128xf32>
    %logistic3A_486 = arith.divf %logistic3A_484, %logistic3A_485 : vector<16x128xf32>
    %dot_general3A_487 = arith.constant dense<0.000000e+00> : vector<32x128xf32>
    %dot_general3A_488 = tpu.matmul %add3A_477, %get3A_89, %dot_general3A_487 {dimension_numbers = #tpu.dot_dimension_numbers<[1], [0], [0], [1], [0, 0, 1, 1], [], []>, transpose_lhs_hint = false} : vector<32x128xf32>, vector<128x128xf32>, vector<32x128xf32> -> vector<32x128xf32>
    %reshape3A_489 = vector.shape_cast %dot_general3A_488 : vector<32x128xf32> to vector<16x2x128xf32>
    %dot_general3A_490 = arith.constant dense<0.000000e+00> : vector<32x128xf32>
    %dot_general3A_491 = tpu.matmul %add3A_477, %get3A_92, %dot_general3A_490 {dimension_numbers = #tpu.dot_dimension_numbers<[1], [0], [0], [1], [0, 0, 1, 1], [], []>, transpose_lhs_hint = false} : vector<32x128xf32>, vector<128x128xf32>, vector<32x128xf32> -> vector<32x128xf32>
    %reshape3A_492 = vector.shape_cast %dot_general3A_491 : vector<32x128xf32> to vector<16x2x128xf32>
    %slice3A_493 = vector.extract_strided_slice %reshape3A_489 {offsets = [0, 0, 0], sizes = [16, 1, 128], strides = [1, 1, 1]} : vector<16x2x128xf32> to vector<16x1x128xf32>
    %squeeze3A_494 = vector.shape_cast %slice3A_493 : vector<16x1x128xf32> to vector<16x128xf32>
    %slice3A_495 = vector.extract_strided_slice %reshape3A_489 {offsets = [0, 1, 0], sizes = [16, 1, 128], strides = [1, 1, 1]} : vector<16x2x128xf32> to vector<16x1x128xf32>
    %squeeze3A_496 = vector.shape_cast %slice3A_495 : vector<16x1x128xf32> to vector<16x128xf32>
    %sub3A_497 = arith.subf %squeeze3A_494, %squeeze3A_496 : vector<16x128xf32>
    %mul3A_498 = arith.mulf %logistic3A_486, %sub3A_497 : vector<16x128xf32>
    %reduce_sum3A_499 = arith.constant dense<0.000000e+00> : vector<16xf32>
    %reduce_sum3A_500 = vector.multi_reduction <add>, %mul3A_498, %reduce_sum3A_499 [1] : vector<16x128xf32> to vector<16xf32>
    %broadcast_in_dim3A_501 = vector.shape_cast %reduce_sum3A_500 : vector<16xf32> to vector<16x1xf32>
    %mul3A_502 = arith.constant 0.0883883461 : f32
    %mul3A_503 = vector.broadcast %mul3A_502 : f32 to vector<16x1xf32>
    %mul3A_504 = arith.mulf %broadcast_in_dim3A_501, %mul3A_503 : vector<16x1xf32>
    %logistic3A_505 = arith.negf %mul3A_504 : vector<16x1xf32>
    %logistic3A_506 = math.exp %logistic3A_505 : vector<16x1xf32>
    %logistic3A_507 = arith.constant 1.000000e+00 : f32
    %logistic3A_508 = vector.broadcast %logistic3A_507 : f32 to vector<16x1xf32>
    %logistic3A_509 = arith.addf %logistic3A_508, %logistic3A_506 : vector<16x1xf32>
    %logistic3A_510 = arith.divf %logistic3A_508, %logistic3A_509 : vector<16x1xf32>
    %slice3A_511 = vector.extract_strided_slice %reshape3A_492 {offsets = [0, 0, 0], sizes = [16, 1, 128], strides = [1, 1, 1]} : vector<16x2x128xf32> to vector<16x1x128xf32>
    %squeeze3A_512 = vector.shape_cast %slice3A_511 : vector<16x1x128xf32> to vector<16x128xf32>
    %mul3A_513 = vector.broadcast %logistic3A_510 : vector<16x1xf32> to vector<16x128xf32>
    %mul3A_514 = arith.mulf %mul3A_513, %squeeze3A_512 : vector<16x128xf32>
    %sub3A_515 = arith.constant 1.000000e+00 : f32
    %sub3A_516 = vector.broadcast %sub3A_515 : f32 to vector<16x1xf32>
    %sub3A_517 = arith.subf %sub3A_516, %logistic3A_510 : vector<16x1xf32>
    %slice3A_518 = vector.extract_strided_slice %reshape3A_492 {offsets = [0, 1, 0], sizes = [16, 1, 128], strides = [1, 1, 1]} : vector<16x2x128xf32> to vector<16x1x128xf32>
    %squeeze3A_519 = vector.shape_cast %slice3A_518 : vector<16x1x128xf32> to vector<16x128xf32>
    %mul3A_520 = vector.broadcast %sub3A_517 : vector<16x1xf32> to vector<16x128xf32>
    %mul3A_521 = arith.mulf %mul3A_520, %squeeze3A_519 : vector<16x128xf32>
    %add3A_522 = arith.addf %mul3A_514, %mul3A_521 : vector<16x128xf32>
    %dot_general3A_523 = arith.constant dense<0.000000e+00> : vector<16x128xf32>
    %dot_general3A_524 = tpu.matmul %slice3A_478, %get3A_95, %dot_general3A_523 {dimension_numbers = #tpu.dot_dimension_numbers<[1], [0], [0], [1], [0, 0, 1, 1], [], []>, transpose_lhs_hint = false} : vector<16x128xf32>, vector<128x128xf32>, vector<16x128xf32> -> vector<16x128xf32>
    %dot_general3A_525 = arith.constant dense<0.000000e+00> : vector<16x128xf32>
    %dot_general3A_526 = tpu.matmul %add3A_522, %get3A_98, %dot_general3A_525 {dimension_numbers = #tpu.dot_dimension_numbers<[1], [0], [0], [1], [0, 0, 1, 1], [], []>, transpose_lhs_hint = false} : vector<16x128xf32>, vector<128x128xf32>, vector<16x128xf32> -> vector<16x128xf32>
    %add3A_527 = arith.addf %dot_general3A_524, %dot_general3A_526 : vector<16x128xf32>
    %add3A_528 = vector.broadcast %get3A_113 : vector<1x128xf32> to vector<16x128xf32>
    %add3A_529 = arith.addf %add3A_527, %add3A_528 : vector<16x128xf32>
    %logistic3A_530 = arith.negf %add3A_529 : vector<16x128xf32>
    %logistic3A_531 = math.exp %logistic3A_530 : vector<16x128xf32>
    %logistic3A_532 = arith.constant 1.000000e+00 : f32
    %logistic3A_533 = vector.broadcast %logistic3A_532 : f32 to vector<16x128xf32>
    %logistic3A_534 = arith.addf %logistic3A_533, %logistic3A_531 : vector<16x128xf32>
    %logistic3A_535 = arith.divf %logistic3A_533, %logistic3A_534 : vector<16x128xf32>
    %dot_general3A_536 = arith.constant dense<0.000000e+00> : vector<16x128xf32>
    %dot_general3A_537 = tpu.matmul %slice3A_478, %get3A_101, %dot_general3A_536 {dimension_numbers = #tpu.dot_dimension_numbers<[1], [0], [0], [1], [0, 0, 1, 1], [], []>, transpose_lhs_hint = false} : vector<16x128xf32>, vector<128x128xf32>, vector<16x128xf32> -> vector<16x128xf32>
    %dot_general3A_538 = arith.constant dense<0.000000e+00> : vector<16x128xf32>
    %dot_general3A_539 = tpu.matmul %add3A_522, %get3A_104, %dot_general3A_538 {dimension_numbers = #tpu.dot_dimension_numbers<[1], [0], [0], [1], [0, 0, 1, 1], [], []>, transpose_lhs_hint = false} : vector<16x128xf32>, vector<128x128xf32>, vector<16x128xf32> -> vector<16x128xf32>
    %add3A_540 = arith.addf %dot_general3A_537, %dot_general3A_539 : vector<16x128xf32>
    %add3A_541 = vector.broadcast %get3A_116 : vector<1x128xf32> to vector<16x128xf32>
    %add3A_542 = arith.addf %add3A_540, %add3A_541 : vector<16x128xf32>
    %logistic3A_543 = arith.negf %add3A_542 : vector<16x128xf32>
    %logistic3A_544 = math.exp %logistic3A_543 : vector<16x128xf32>
    %logistic3A_545 = arith.constant 1.000000e+00 : f32
    %logistic3A_546 = vector.broadcast %logistic3A_545 : f32 to vector<16x128xf32>
    %logistic3A_547 = arith.addf %logistic3A_546, %logistic3A_544 : vector<16x128xf32>
    %logistic3A_548 = arith.divf %logistic3A_546, %logistic3A_547 : vector<16x128xf32>
    %dot_general3A_549 = arith.constant dense<0.000000e+00> : vector<16x128xf32>
    %dot_general3A_550 = tpu.matmul %slice3A_478, %get3A_107, %dot_general3A_549 {dimension_numbers = #tpu.dot_dimension_numbers<[1], [0], [0], [1], [0, 0, 1, 1], [], []>, transpose_lhs_hint = false} : vector<16x128xf32>, vector<128x128xf32>, vector<16x128xf32> -> vector<16x128xf32>
    %mul3A_551 = arith.mulf %add3A_522, %logistic3A_548 : vector<16x128xf32>
    %dot_general3A_552 = arith.constant dense<0.000000e+00> : vector<16x128xf32>
    %dot_general3A_553 = tpu.matmul %mul3A_551, %get3A_110, %dot_general3A_552 {dimension_numbers = #tpu.dot_dimension_numbers<[1], [0], [0], [1], [0, 0, 1, 1], [], []>, transpose_lhs_hint = false} : vector<16x128xf32>, vector<128x128xf32>, vector<16x128xf32> -> vector<16x128xf32>
    %add3A_554 = arith.addf %dot_general3A_550, %dot_general3A_553 : vector<16x128xf32>
    %add3A_555 = vector.broadcast %get3A_119 : vector<1x128xf32> to vector<16x128xf32>
    %add3A_556 = arith.addf %add3A_554, %add3A_555 : vector<16x128xf32>
    %tanh3A_557 = math.tanh %add3A_556 : vector<16x128xf32>
    %mul3A_558 = arith.mulf %logistic3A_535, %add3A_522 : vector<16x128xf32>
    %sub3A_559 = arith.constant 1.000000e+00 : f32
    %sub3A_560 = vector.broadcast %sub3A_559 : f32 to vector<16x128xf32>
    %sub3A_561 = arith.subf %sub3A_560, %logistic3A_535 : vector<16x128xf32>
    %mul3A_562 = arith.mulf %sub3A_561, %tanh3A_557 : vector<16x128xf32>
    %add3A_563 = arith.addf %mul3A_558, %mul3A_562 : vector<16x128xf32>
    %slice3A_564 = vector.extract_strided_slice %add3A_83 {offsets = [1008, 0], sizes = [8, 128], strides = [1, 1]} : vector<1024x128xf32> to vector<8x128xf32>
    %dot_general3A_565 = arith.constant dense<0.000000e+00> : vector<8x128xf32>
    %dot_general3A_566 = tpu.matmul %slice3A_564, %get3A_86, %dot_general3A_565 {dimension_numbers = #tpu.dot_dimension_numbers<[1], [0], [0], [1], [0, 0, 1, 1], [], []>, transpose_lhs_hint = false} : vector<8x128xf32>, vector<128x128xf32>, vector<8x128xf32> -> vector<8x128xf32>
    %logistic3A_567 = arith.negf %dot_general3A_566 : vector<8x128xf32>
    %logistic3A_568 = math.exp %logistic3A_567 : vector<8x128xf32>
    %logistic3A_569 = arith.constant 1.000000e+00 : f32
    %logistic3A_570 = vector.broadcast %logistic3A_569 : f32 to vector<8x128xf32>
    %logistic3A_571 = arith.addf %logistic3A_570, %logistic3A_568 : vector<8x128xf32>
    %logistic3A_572 = arith.divf %logistic3A_570, %logistic3A_571 : vector<8x128xf32>
    %dot_general3A_573 = arith.constant dense<0.000000e+00> : vector<16x128xf32>
    %dot_general3A_574 = tpu.matmul %add3A_563, %get3A_89, %dot_general3A_573 {dimension_numbers = #tpu.dot_dimension_numbers<[1], [0], [0], [1], [0, 0, 1, 1], [], []>, transpose_lhs_hint = false} : vector<16x128xf32>, vector<128x128xf32>, vector<16x128xf32> -> vector<16x128xf32>
    %reshape3A_575 = vector.shape_cast %dot_general3A_574 : vector<16x128xf32> to vector<8x2x128xf32>
    %dot_general3A_576 = arith.constant dense<0.000000e+00> : vector<16x128xf32>
    %dot_general3A_577 = tpu.matmul %add3A_563, %get3A_92, %dot_general3A_576 {dimension_numbers = #tpu.dot_dimension_numbers<[1], [0], [0], [1], [0, 0, 1, 1], [], []>, transpose_lhs_hint = false} : vector<16x128xf32>, vector<128x128xf32>, vector<16x128xf32> -> vector<16x128xf32>
    %reshape3A_578 = vector.shape_cast %dot_general3A_577 : vector<16x128xf32> to vector<8x2x128xf32>
    %slice3A_579 = vector.extract_strided_slice %reshape3A_575 {offsets = [0, 0, 0], sizes = [8, 1, 128], strides = [1, 1, 1]} : vector<8x2x128xf32> to vector<8x1x128xf32>
    %squeeze3A_580 = vector.shape_cast %slice3A_579 : vector<8x1x128xf32> to vector<8x128xf32>
    %slice3A_581 = vector.extract_strided_slice %reshape3A_575 {offsets = [0, 1, 0], sizes = [8, 1, 128], strides = [1, 1, 1]} : vector<8x2x128xf32> to vector<8x1x128xf32>
    %squeeze3A_582 = vector.shape_cast %slice3A_581 : vector<8x1x128xf32> to vector<8x128xf32>
    %sub3A_583 = arith.subf %squeeze3A_580, %squeeze3A_582 : vector<8x128xf32>
    %mul3A_584 = arith.mulf %logistic3A_572, %sub3A_583 : vector<8x128xf32>
    %reduce_sum3A_585 = arith.constant dense<0.000000e+00> : vector<8xf32>
    %reduce_sum3A_586 = vector.multi_reduction <add>, %mul3A_584, %reduce_sum3A_585 [1] : vector<8x128xf32> to vector<8xf32>
    %broadcast_in_dim3A_587 = vector.shape_cast %reduce_sum3A_586 : vector<8xf32> to vector<8x1xf32>
    %mul3A_588 = arith.constant 0.0883883461 : f32
    %mul3A_589 = vector.broadcast %mul3A_588 : f32 to vector<8x1xf32>
    %mul3A_590 = arith.mulf %broadcast_in_dim3A_587, %mul3A_589 : vector<8x1xf32>
    %logistic3A_591 = arith.negf %mul3A_590 : vector<8x1xf32>
    %logistic3A_592 = math.exp %logistic3A_591 : vector<8x1xf32>
    %logistic3A_593 = arith.constant 1.000000e+00 : f32
    %logistic3A_594 = vector.broadcast %logistic3A_593 : f32 to vector<8x1xf32>
    %logistic3A_595 = arith.addf %logistic3A_594, %logistic3A_592 : vector<8x1xf32>
    %logistic3A_596 = arith.divf %logistic3A_594, %logistic3A_595 : vector<8x1xf32>
    %slice3A_597 = vector.extract_strided_slice %reshape3A_578 {offsets = [0, 0, 0], sizes = [8, 1, 128], strides = [1, 1, 1]} : vector<8x2x128xf32> to vector<8x1x128xf32>
    %squeeze3A_598 = vector.shape_cast %slice3A_597 : vector<8x1x128xf32> to vector<8x128xf32>
    %mul3A_599 = vector.broadcast %logistic3A_596 : vector<8x1xf32> to vector<8x128xf32>
    %mul3A_600 = arith.mulf %mul3A_599, %squeeze3A_598 : vector<8x128xf32>
    %sub3A_601 = arith.constant 1.000000e+00 : f32
    %sub3A_602 = vector.broadcast %sub3A_601 : f32 to vector<8x1xf32>
    %sub3A_603 = arith.subf %sub3A_602, %logistic3A_596 : vector<8x1xf32>
    %slice3A_604 = vector.extract_strided_slice %reshape3A_578 {offsets = [0, 1, 0], sizes = [8, 1, 128], strides = [1, 1, 1]} : vector<8x2x128xf32> to vector<8x1x128xf32>
    %squeeze3A_605 = vector.shape_cast %slice3A_604 : vector<8x1x128xf32> to vector<8x128xf32>
    %mul3A_606 = vector.broadcast %sub3A_603 : vector<8x1xf32> to vector<8x128xf32>
    %mul3A_607 = arith.mulf %mul3A_606, %squeeze3A_605 : vector<8x128xf32>
    %add3A_608 = arith.addf %mul3A_600, %mul3A_607 : vector<8x128xf32>
    %dot_general3A_609 = arith.constant dense<0.000000e+00> : vector<8x128xf32>
    %dot_general3A_610 = tpu.matmul %slice3A_564, %get3A_95, %dot_general3A_609 {dimension_numbers = #tpu.dot_dimension_numbers<[1], [0], [0], [1], [0, 0, 1, 1], [], []>, transpose_lhs_hint = false} : vector<8x128xf32>, vector<128x128xf32>, vector<8x128xf32> -> vector<8x128xf32>
    %dot_general3A_611 = arith.constant dense<0.000000e+00> : vector<8x128xf32>
    %dot_general3A_612 = tpu.matmul %add3A_608, %get3A_98, %dot_general3A_611 {dimension_numbers = #tpu.dot_dimension_numbers<[1], [0], [0], [1], [0, 0, 1, 1], [], []>, transpose_lhs_hint = false} : vector<8x128xf32>, vector<128x128xf32>, vector<8x128xf32> -> vector<8x128xf32>
    %add3A_613 = arith.addf %dot_general3A_610, %dot_general3A_612 : vector<8x128xf32>
    %add3A_614 = vector.broadcast %get3A_113 : vector<1x128xf32> to vector<8x128xf32>
    %add3A_615 = arith.addf %add3A_613, %add3A_614 : vector<8x128xf32>
    %logistic3A_616 = arith.negf %add3A_615 : vector<8x128xf32>
    %logistic3A_617 = math.exp %logistic3A_616 : vector<8x128xf32>
    %logistic3A_618 = arith.constant 1.000000e+00 : f32
    %logistic3A_619 = vector.broadcast %logistic3A_618 : f32 to vector<8x128xf32>
    %logistic3A_620 = arith.addf %logistic3A_619, %logistic3A_617 : vector<8x128xf32>
    %logistic3A_621 = arith.divf %logistic3A_619, %logistic3A_620 : vector<8x128xf32>
    %dot_general3A_622 = arith.constant dense<0.000000e+00> : vector<8x128xf32>
    %dot_general3A_623 = tpu.matmul %slice3A_564, %get3A_101, %dot_general3A_622 {dimension_numbers = #tpu.dot_dimension_numbers<[1], [0], [0], [1], [0, 0, 1, 1], [], []>, transpose_lhs_hint = false} : vector<8x128xf32>, vector<128x128xf32>, vector<8x128xf32> -> vector<8x128xf32>
    %dot_general3A_624 = arith.constant dense<0.000000e+00> : vector<8x128xf32>
    %dot_general3A_625 = tpu.matmul %add3A_608, %get3A_104, %dot_general3A_624 {dimension_numbers = #tpu.dot_dimension_numbers<[1], [0], [0], [1], [0, 0, 1, 1], [], []>, transpose_lhs_hint = false} : vector<8x128xf32>, vector<128x128xf32>, vector<8x128xf32> -> vector<8x128xf32>
    %add3A_626 = arith.addf %dot_general3A_623, %dot_general3A_625 : vector<8x128xf32>
    %add3A_627 = vector.broadcast %get3A_116 : vector<1x128xf32> to vector<8x128xf32>
    %add3A_628 = arith.addf %add3A_626, %add3A_627 : vector<8x128xf32>
    %logistic3A_629 = arith.negf %add3A_628 : vector<8x128xf32>
    %logistic3A_630 = math.exp %logistic3A_629 : vector<8x128xf32>
    %logistic3A_631 = arith.constant 1.000000e+00 : f32
    %logistic3A_632 = vector.broadcast %logistic3A_631 : f32 to vector<8x128xf32>
    %logistic3A_633 = arith.addf %logistic3A_632, %logistic3A_630 : vector<8x128xf32>
    %logistic3A_634 = arith.divf %logistic3A_632, %logistic3A_633 : vector<8x128xf32>
    %dot_general3A_635 = arith.constant dense<0.000000e+00> : vector<8x128xf32>
    %dot_general3A_636 = tpu.matmul %slice3A_564, %get3A_107, %dot_general3A_635 {dimension_numbers = #tpu.dot_dimension_numbers<[1], [0], [0], [1], [0, 0, 1, 1], [], []>, transpose_lhs_hint = false} : vector<8x128xf32>, vector<128x128xf32>, vector<8x128xf32> -> vector<8x128xf32>
    %mul3A_637 = arith.mulf %add3A_608, %logistic3A_634 : vector<8x128xf32>
    %dot_general3A_638 = arith.constant dense<0.000000e+00> : vector<8x128xf32>
    %dot_general3A_639 = tpu.matmul %mul3A_637, %get3A_110, %dot_general3A_638 {dimension_numbers = #tpu.dot_dimension_numbers<[1], [0], [0], [1], [0, 0, 1, 1], [], []>, transpose_lhs_hint = false} : vector<8x128xf32>, vector<128x128xf32>, vector<8x128xf32> -> vector<8x128xf32>
    %add3A_640 = arith.addf %dot_general3A_636, %dot_general3A_639 : vector<8x128xf32>
    %add3A_641 = vector.broadcast %get3A_119 : vector<1x128xf32> to vector<8x128xf32>
    %add3A_642 = arith.addf %add3A_640, %add3A_641 : vector<8x128xf32>
    %tanh3A_643 = math.tanh %add3A_642 : vector<8x128xf32>
    %mul3A_644 = arith.mulf %logistic3A_621, %add3A_608 : vector<8x128xf32>
    %sub3A_645 = arith.constant 1.000000e+00 : f32
    %sub3A_646 = vector.broadcast %sub3A_645 : f32 to vector<8x128xf32>
    %sub3A_647 = arith.subf %sub3A_646, %logistic3A_621 : vector<8x128xf32>
    %mul3A_648 = arith.mulf %sub3A_647, %tanh3A_643 : vector<8x128xf32>
    %add3A_649 = arith.addf %mul3A_644, %mul3A_648 : vector<8x128xf32>
    %slice3A_650 = vector.extract_strided_slice %add3A_83 {offsets = [1016, 0], sizes = [4, 128], strides = [1, 1]} : vector<1024x128xf32> to vector<4x128xf32>
    %dot_general3A_651 = arith.constant dense<0.000000e+00> : vector<4x128xf32>
    %dot_general3A_652 = tpu.matmul %slice3A_650, %get3A_86, %dot_general3A_651 {dimension_numbers = #tpu.dot_dimension_numbers<[1], [0], [0], [1], [0, 0, 1, 1], [], []>, transpose_lhs_hint = false} : vector<4x128xf32>, vector<128x128xf32>, vector<4x128xf32> -> vector<4x128xf32>
    %logistic3A_653 = arith.negf %dot_general3A_652 : vector<4x128xf32>
    %logistic3A_654 = math.exp %logistic3A_653 : vector<4x128xf32>
    %logistic3A_655 = arith.constant 1.000000e+00 : f32
    %logistic3A_656 = vector.broadcast %logistic3A_655 : f32 to vector<4x128xf32>
    %logistic3A_657 = arith.addf %logistic3A_656, %logistic3A_654 : vector<4x128xf32>
    %logistic3A_658 = arith.divf %logistic3A_656, %logistic3A_657 : vector<4x128xf32>
    %dot_general3A_659 = arith.constant dense<0.000000e+00> : vector<8x128xf32>
    %dot_general3A_660 = tpu.matmul %add3A_649, %get3A_89, %dot_general3A_659 {dimension_numbers = #tpu.dot_dimension_numbers<[1], [0], [0], [1], [0, 0, 1, 1], [], []>, transpose_lhs_hint = false} : vector<8x128xf32>, vector<128x128xf32>, vector<8x128xf32> -> vector<8x128xf32>
    %reshape3A_661 = vector.shape_cast %dot_general3A_660 : vector<8x128xf32> to vector<4x2x128xf32>
    %dot_general3A_662 = arith.constant dense<0.000000e+00> : vector<8x128xf32>
    %dot_general3A_663 = tpu.matmul %add3A_649, %get3A_92, %dot_general3A_662 {dimension_numbers = #tpu.dot_dimension_numbers<[1], [0], [0], [1], [0, 0, 1, 1], [], []>, transpose_lhs_hint = false} : vector<8x128xf32>, vector<128x128xf32>, vector<8x128xf32> -> vector<8x128xf32>
    %reshape3A_664 = vector.shape_cast %dot_general3A_663 : vector<8x128xf32> to vector<4x2x128xf32>
    %slice3A_665 = vector.extract_strided_slice %reshape3A_661 {offsets = [0, 0, 0], sizes = [4, 1, 128], strides = [1, 1, 1]} : vector<4x2x128xf32> to vector<4x1x128xf32>
    %squeeze3A_666 = vector.shape_cast %slice3A_665 : vector<4x1x128xf32> to vector<4x128xf32>
    %slice3A_667 = vector.extract_strided_slice %reshape3A_661 {offsets = [0, 1, 0], sizes = [4, 1, 128], strides = [1, 1, 1]} : vector<4x2x128xf32> to vector<4x1x128xf32>
    %squeeze3A_668 = vector.shape_cast %slice3A_667 : vector<4x1x128xf32> to vector<4x128xf32>
    %sub3A_669 = arith.subf %squeeze3A_666, %squeeze3A_668 : vector<4x128xf32>
    %mul3A_670 = arith.mulf %logistic3A_658, %sub3A_669 : vector<4x128xf32>
    %reduce_sum3A_671 = arith.constant dense<0.000000e+00> : vector<4xf32>
    %reduce_sum3A_672 = vector.multi_reduction <add>, %mul3A_670, %reduce_sum3A_671 [1] : vector<4x128xf32> to vector<4xf32>
    %broadcast_in_dim3A_673 = vector.shape_cast %reduce_sum3A_672 : vector<4xf32> to vector<4x1xf32>
    %mul3A_674 = arith.constant 0.0883883461 : f32
    %mul3A_675 = vector.broadcast %mul3A_674 : f32 to vector<4x1xf32>
    %mul3A_676 = arith.mulf %broadcast_in_dim3A_673, %mul3A_675 : vector<4x1xf32>
    %logistic3A_677 = arith.negf %mul3A_676 : vector<4x1xf32>
    %logistic3A_678 = math.exp %logistic3A_677 : vector<4x1xf32>
    %logistic3A_679 = arith.constant 1.000000e+00 : f32
    %logistic3A_680 = vector.broadcast %logistic3A_679 : f32 to vector<4x1xf32>
    %logistic3A_681 = arith.addf %logistic3A_680, %logistic3A_678 : vector<4x1xf32>
    %logistic3A_682 = arith.divf %logistic3A_680, %logistic3A_681 : vector<4x1xf32>
    %slice3A_683 = vector.extract_strided_slice %reshape3A_664 {offsets = [0, 0, 0], sizes = [4, 1, 128], strides = [1, 1, 1]} : vector<4x2x128xf32> to vector<4x1x128xf32>
    %squeeze3A_684 = vector.shape_cast %slice3A_683 : vector<4x1x128xf32> to vector<4x128xf32>
    %mul3A_685 = vector.broadcast %logistic3A_682 : vector<4x1xf32> to vector<4x128xf32>
    %mul3A_686 = arith.mulf %mul3A_685, %squeeze3A_684 : vector<4x128xf32>
    %sub3A_687 = arith.constant 1.000000e+00 : f32
    %sub3A_688 = vector.broadcast %sub3A_687 : f32 to vector<4x1xf32>
    %sub3A_689 = arith.subf %sub3A_688, %logistic3A_682 : vector<4x1xf32>
    %slice3A_690 = vector.extract_strided_slice %reshape3A_664 {offsets = [0, 1, 0], sizes = [4, 1, 128], strides = [1, 1, 1]} : vector<4x2x128xf32> to vector<4x1x128xf32>
    %squeeze3A_691 = vector.shape_cast %slice3A_690 : vector<4x1x128xf32> to vector<4x128xf32>
    %mul3A_692 = vector.broadcast %sub3A_689 : vector<4x1xf32> to vector<4x128xf32>
    %mul3A_693 = arith.mulf %mul3A_692, %squeeze3A_691 : vector<4x128xf32>
    %add3A_694 = arith.addf %mul3A_686, %mul3A_693 : vector<4x128xf32>
    %dot_general3A_695 = arith.constant dense<0.000000e+00> : vector<4x128xf32>
    %dot_general3A_696 = tpu.matmul %slice3A_650, %get3A_95, %dot_general3A_695 {dimension_numbers = #tpu.dot_dimension_numbers<[1], [0], [0], [1], [0, 0, 1, 1], [], []>, transpose_lhs_hint = false} : vector<4x128xf32>, vector<128x128xf32>, vector<4x128xf32> -> vector<4x128xf32>
    %dot_general3A_697 = arith.constant dense<0.000000e+00> : vector<4x128xf32>
    %dot_general3A_698 = tpu.matmul %add3A_694, %get3A_98, %dot_general3A_697 {dimension_numbers = #tpu.dot_dimension_numbers<[1], [0], [0], [1], [0, 0, 1, 1], [], []>, transpose_lhs_hint = false} : vector<4x128xf32>, vector<128x128xf32>, vector<4x128xf32> -> vector<4x128xf32>
    %add3A_699 = arith.addf %dot_general3A_696, %dot_general3A_698 : vector<4x128xf32>
    %add3A_700 = vector.broadcast %get3A_113 : vector<1x128xf32> to vector<4x128xf32>
    %add3A_701 = arith.addf %add3A_699, %add3A_700 : vector<4x128xf32>
    %logistic3A_702 = arith.negf %add3A_701 : vector<4x128xf32>
    %logistic3A_703 = math.exp %logistic3A_702 : vector<4x128xf32>
    %logistic3A_704 = arith.constant 1.000000e+00 : f32
    %logistic3A_705 = vector.broadcast %logistic3A_704 : f32 to vector<4x128xf32>
    %logistic3A_706 = arith.addf %logistic3A_705, %logistic3A_703 : vector<4x128xf32>
    %logistic3A_707 = arith.divf %logistic3A_705, %logistic3A_706 : vector<4x128xf32>
    %dot_general3A_708 = arith.constant dense<0.000000e+00> : vector<4x128xf32>
    %dot_general3A_709 = tpu.matmul %slice3A_650, %get3A_101, %dot_general3A_708 {dimension_numbers = #tpu.dot_dimension_numbers<[1], [0], [0], [1], [0, 0, 1, 1], [], []>, transpose_lhs_hint = false} : vector<4x128xf32>, vector<128x128xf32>, vector<4x128xf32> -> vector<4x128xf32>
    %dot_general3A_710 = arith.constant dense<0.000000e+00> : vector<4x128xf32>
    %dot_general3A_711 = tpu.matmul %add3A_694, %get3A_104, %dot_general3A_710 {dimension_numbers = #tpu.dot_dimension_numbers<[1], [0], [0], [1], [0, 0, 1, 1], [], []>, transpose_lhs_hint = false} : vector<4x128xf32>, vector<128x128xf32>, vector<4x128xf32> -> vector<4x128xf32>
    %add3A_712 = arith.addf %dot_general3A_709, %dot_general3A_711 : vector<4x128xf32>
    %add3A_713 = vector.broadcast %get3A_116 : vector<1x128xf32> to vector<4x128xf32>
    %add3A_714 = arith.addf %add3A_712, %add3A_713 : vector<4x128xf32>
    %logistic3A_715 = arith.negf %add3A_714 : vector<4x128xf32>
    %logistic3A_716 = math.exp %logistic3A_715 : vector<4x128xf32>
    %logistic3A_717 = arith.constant 1.000000e+00 : f32
    %logistic3A_718 = vector.broadcast %logistic3A_717 : f32 to vector<4x128xf32>
    %logistic3A_719 = arith.addf %logistic3A_718, %logistic3A_716 : vector<4x128xf32>
    %logistic3A_720 = arith.divf %logistic3A_718, %logistic3A_719 : vector<4x128xf32>
    %dot_general3A_721 = arith.constant dense<0.000000e+00> : vector<4x128xf32>
    %dot_general3A_722 = tpu.matmul %slice3A_650, %get3A_107, %dot_general3A_721 {dimension_numbers = #tpu.dot_dimension_numbers<[1], [0], [0], [1], [0, 0, 1, 1], [], []>, transpose_lhs_hint = false} : vector<4x128xf32>, vector<128x128xf32>, vector<4x128xf32> -> vector<4x128xf32>
    %mul3A_723 = arith.mulf %add3A_694, %logistic3A_720 : vector<4x128xf32>
    %dot_general3A_724 = arith.constant dense<0.000000e+00> : vector<4x128xf32>
    %dot_general3A_725 = tpu.matmul %mul3A_723, %get3A_110, %dot_general3A_724 {dimension_numbers = #tpu.dot_dimension_numbers<[1], [0], [0], [1], [0, 0, 1, 1], [], []>, transpose_lhs_hint = false} : vector<4x128xf32>, vector<128x128xf32>, vector<4x128xf32> -> vector<4x128xf32>
    %add3A_726 = arith.addf %dot_general3A_722, %dot_general3A_725 : vector<4x128xf32>
    %add3A_727 = vector.broadcast %get3A_119 : vector<1x128xf32> to vector<4x128xf32>
    %add3A_728 = arith.addf %add3A_726, %add3A_727 : vector<4x128xf32>
    %tanh3A_729 = math.tanh %add3A_728 : vector<4x128xf32>
    %mul3A_730 = arith.mulf %logistic3A_707, %add3A_694 : vector<4x128xf32>
    %sub3A_731 = arith.constant 1.000000e+00 : f32
    %sub3A_732 = vector.broadcast %sub3A_731 : f32 to vector<4x128xf32>
    %sub3A_733 = arith.subf %sub3A_732, %logistic3A_707 : vector<4x128xf32>
    %mul3A_734 = arith.mulf %sub3A_733, %tanh3A_729 : vector<4x128xf32>
    %add3A_735 = arith.addf %mul3A_730, %mul3A_734 : vector<4x128xf32>
    %slice3A_736 = vector.extract_strided_slice %add3A_83 {offsets = [1020, 0], sizes = [2, 128], strides = [1, 1]} : vector<1024x128xf32> to vector<2x128xf32>
    %dot_general3A_737 = arith.constant dense<0.000000e+00> : vector<2x128xf32>
    %dot_general3A_738 = tpu.matmul %slice3A_736, %get3A_86, %dot_general3A_737 {dimension_numbers = #tpu.dot_dimension_numbers<[1], [0], [0], [1], [0, 0, 1, 1], [], []>, transpose_lhs_hint = false} : vector<2x128xf32>, vector<128x128xf32>, vector<2x128xf32> -> vector<2x128xf32>
    %logistic3A_739 = arith.negf %dot_general3A_738 : vector<2x128xf32>
    %logistic3A_740 = math.exp %logistic3A_739 : vector<2x128xf32>
    %logistic3A_741 = arith.constant 1.000000e+00 : f32
    %logistic3A_742 = vector.broadcast %logistic3A_741 : f32 to vector<2x128xf32>
    %logistic3A_743 = arith.addf %logistic3A_742, %logistic3A_740 : vector<2x128xf32>
    %logistic3A_744 = arith.divf %logistic3A_742, %logistic3A_743 : vector<2x128xf32>
    %dot_general3A_745 = arith.constant dense<0.000000e+00> : vector<4x128xf32>
    %dot_general3A_746 = tpu.matmul %add3A_735, %get3A_89, %dot_general3A_745 {dimension_numbers = #tpu.dot_dimension_numbers<[1], [0], [0], [1], [0, 0, 1, 1], [], []>, transpose_lhs_hint = false} : vector<4x128xf32>, vector<128x128xf32>, vector<4x128xf32> -> vector<4x128xf32>
    %reshape3A_747 = vector.shape_cast %dot_general3A_746 : vector<4x128xf32> to vector<2x2x128xf32>
    %dot_general3A_748 = arith.constant dense<0.000000e+00> : vector<4x128xf32>
    %dot_general3A_749 = tpu.matmul %add3A_735, %get3A_92, %dot_general3A_748 {dimension_numbers = #tpu.dot_dimension_numbers<[1], [0], [0], [1], [0, 0, 1, 1], [], []>, transpose_lhs_hint = false} : vector<4x128xf32>, vector<128x128xf32>, vector<4x128xf32> -> vector<4x128xf32>
    %reshape3A_750 = vector.shape_cast %dot_general3A_749 : vector<4x128xf32> to vector<2x2x128xf32>
    %slice3A_751 = vector.extract_strided_slice %reshape3A_747 {offsets = [0, 0, 0], sizes = [2, 1, 128], strides = [1, 1, 1]} : vector<2x2x128xf32> to vector<2x1x128xf32>
    %squeeze3A_752 = vector.shape_cast %slice3A_751 : vector<2x1x128xf32> to vector<2x128xf32>
    %slice3A_753 = vector.extract_strided_slice %reshape3A_747 {offsets = [0, 1, 0], sizes = [2, 1, 128], strides = [1, 1, 1]} : vector<2x2x128xf32> to vector<2x1x128xf32>
    %squeeze3A_754 = vector.shape_cast %slice3A_753 : vector<2x1x128xf32> to vector<2x128xf32>
    %sub3A_755 = arith.subf %squeeze3A_752, %squeeze3A_754 : vector<2x128xf32>
    %mul3A_756 = arith.mulf %logistic3A_744, %sub3A_755 : vector<2x128xf32>
    %reduce_sum3A_757 = arith.constant dense<0.000000e+00> : vector<2xf32>
    %reduce_sum3A_758 = vector.multi_reduction <add>, %mul3A_756, %reduce_sum3A_757 [1] : vector<2x128xf32> to vector<2xf32>
    %broadcast_in_dim3A_759 = vector.shape_cast %reduce_sum3A_758 : vector<2xf32> to vector<2x1xf32>
    %mul3A_760 = arith.constant 0.0883883461 : f32
    %mul3A_761 = vector.broadcast %mul3A_760 : f32 to vector<2x1xf32>
    %mul3A_762 = arith.mulf %broadcast_in_dim3A_759, %mul3A_761 : vector<2x1xf32>
    %logistic3A_763 = arith.negf %mul3A_762 : vector<2x1xf32>
    %logistic3A_764 = math.exp %logistic3A_763 : vector<2x1xf32>
    %logistic3A_765 = arith.constant 1.000000e+00 : f32
    %logistic3A_766 = vector.broadcast %logistic3A_765 : f32 to vector<2x1xf32>
    %logistic3A_767 = arith.addf %logistic3A_766, %logistic3A_764 : vector<2x1xf32>
    %logistic3A_768 = arith.divf %logistic3A_766, %logistic3A_767 : vector<2x1xf32>
    %slice3A_769 = vector.extract_strided_slice %reshape3A_750 {offsets = [0, 0, 0], sizes = [2, 1, 128], strides = [1, 1, 1]} : vector<2x2x128xf32> to vector<2x1x128xf32>
    %squeeze3A_770 = vector.shape_cast %slice3A_769 : vector<2x1x128xf32> to vector<2x128xf32>
    %mul3A_771 = vector.broadcast %logistic3A_768 : vector<2x1xf32> to vector<2x128xf32>
    %mul3A_772 = arith.mulf %mul3A_771, %squeeze3A_770 : vector<2x128xf32>
    %sub3A_773 = arith.constant 1.000000e+00 : f32
    %sub3A_774 = vector.broadcast %sub3A_773 : f32 to vector<2x1xf32>
    %sub3A_775 = arith.subf %sub3A_774, %logistic3A_768 : vector<2x1xf32>
    %slice3A_776 = vector.extract_strided_slice %reshape3A_750 {offsets = [0, 1, 0], sizes = [2, 1, 128], strides = [1, 1, 1]} : vector<2x2x128xf32> to vector<2x1x128xf32>
    %squeeze3A_777 = vector.shape_cast %slice3A_776 : vector<2x1x128xf32> to vector<2x128xf32>
    %mul3A_778 = vector.broadcast %sub3A_775 : vector<2x1xf32> to vector<2x128xf32>
    %mul3A_779 = arith.mulf %mul3A_778, %squeeze3A_777 : vector<2x128xf32>
    %add3A_780 = arith.addf %mul3A_772, %mul3A_779 : vector<2x128xf32>
    %dot_general3A_781 = arith.constant dense<0.000000e+00> : vector<2x128xf32>
    %dot_general3A_782 = tpu.matmul %slice3A_736, %get3A_95, %dot_general3A_781 {dimension_numbers = #tpu.dot_dimension_numbers<[1], [0], [0], [1], [0, 0, 1, 1], [], []>, transpose_lhs_hint = false} : vector<2x128xf32>, vector<128x128xf32>, vector<2x128xf32> -> vector<2x128xf32>
    %dot_general3A_783 = arith.constant dense<0.000000e+00> : vector<2x128xf32>
    %dot_general3A_784 = tpu.matmul %add3A_780, %get3A_98, %dot_general3A_783 {dimension_numbers = #tpu.dot_dimension_numbers<[1], [0], [0], [1], [0, 0, 1, 1], [], []>, transpose_lhs_hint = false} : vector<2x128xf32>, vector<128x128xf32>, vector<2x128xf32> -> vector<2x128xf32>
    %add3A_785 = arith.addf %dot_general3A_782, %dot_general3A_784 : vector<2x128xf32>
    %add3A_786 = vector.broadcast %get3A_113 : vector<1x128xf32> to vector<2x128xf32>
    %add3A_787 = arith.addf %add3A_785, %add3A_786 : vector<2x128xf32>
    %logistic3A_788 = arith.negf %add3A_787 : vector<2x128xf32>
    %logistic3A_789 = math.exp %logistic3A_788 : vector<2x128xf32>
    %logistic3A_790 = arith.constant 1.000000e+00 : f32
    %logistic3A_791 = vector.broadcast %logistic3A_790 : f32 to vector<2x128xf32>
    %logistic3A_792 = arith.addf %logistic3A_791, %logistic3A_789 : vector<2x128xf32>
    %logistic3A_793 = arith.divf %logistic3A_791, %logistic3A_792 : vector<2x128xf32>
    %dot_general3A_794 = arith.constant dense<0.000000e+00> : vector<2x128xf32>
    %dot_general3A_795 = tpu.matmul %slice3A_736, %get3A_101, %dot_general3A_794 {dimension_numbers = #tpu.dot_dimension_numbers<[1], [0], [0], [1], [0, 0, 1, 1], [], []>, transpose_lhs_hint = false} : vector<2x128xf32>, vector<128x128xf32>, vector<2x128xf32> -> vector<2x128xf32>
    %dot_general3A_796 = arith.constant dense<0.000000e+00> : vector<2x128xf32>
    %dot_general3A_797 = tpu.matmul %add3A_780, %get3A_104, %dot_general3A_796 {dimension_numbers = #tpu.dot_dimension_numbers<[1], [0], [0], [1], [0, 0, 1, 1], [], []>, transpose_lhs_hint = false} : vector<2x128xf32>, vector<128x128xf32>, vector<2x128xf32> -> vector<2x128xf32>
    %add3A_798 = arith.addf %dot_general3A_795, %dot_general3A_797 : vector<2x128xf32>
    %add3A_799 = vector.broadcast %get3A_116 : vector<1x128xf32> to vector<2x128xf32>
    %add3A_800 = arith.addf %add3A_798, %add3A_799 : vector<2x128xf32>
    %logistic3A_801 = arith.negf %add3A_800 : vector<2x128xf32>
    %logistic3A_802 = math.exp %logistic3A_801 : vector<2x128xf32>
    %logistic3A_803 = arith.constant 1.000000e+00 : f32
    %logistic3A_804 = vector.broadcast %logistic3A_803 : f32 to vector<2x128xf32>
    %logistic3A_805 = arith.addf %logistic3A_804, %logistic3A_802 : vector<2x128xf32>
    %logistic3A_806 = arith.divf %logistic3A_804, %logistic3A_805 : vector<2x128xf32>
    %dot_general3A_807 = arith.constant dense<0.000000e+00> : vector<2x128xf32>
    %dot_general3A_808 = tpu.matmul %slice3A_736, %get3A_107, %dot_general3A_807 {dimension_numbers = #tpu.dot_dimension_numbers<[1], [0], [0], [1], [0, 0, 1, 1], [], []>, transpose_lhs_hint = false} : vector<2x128xf32>, vector<128x128xf32>, vector<2x128xf32> -> vector<2x128xf32>
    %mul3A_809 = arith.mulf %add3A_780, %logistic3A_806 : vector<2x128xf32>
    %dot_general3A_810 = arith.constant dense<0.000000e+00> : vector<2x128xf32>
    %dot_general3A_811 = tpu.matmul %mul3A_809, %get3A_110, %dot_general3A_810 {dimension_numbers = #tpu.dot_dimension_numbers<[1], [0], [0], [1], [0, 0, 1, 1], [], []>, transpose_lhs_hint = false} : vector<2x128xf32>, vector<128x128xf32>, vector<2x128xf32> -> vector<2x128xf32>
    %add3A_812 = arith.addf %dot_general3A_808, %dot_general3A_811 : vector<2x128xf32>
    %add3A_813 = vector.broadcast %get3A_119 : vector<1x128xf32> to vector<2x128xf32>
    %add3A_814 = arith.addf %add3A_812, %add3A_813 : vector<2x128xf32>
    %tanh3A_815 = math.tanh %add3A_814 : vector<2x128xf32>
    %mul3A_816 = arith.mulf %logistic3A_793, %add3A_780 : vector<2x128xf32>
    %sub3A_817 = arith.constant 1.000000e+00 : f32
    %sub3A_818 = vector.broadcast %sub3A_817 : f32 to vector<2x128xf32>
    %sub3A_819 = arith.subf %sub3A_818, %logistic3A_793 : vector<2x128xf32>
    %mul3A_820 = arith.mulf %sub3A_819, %tanh3A_815 : vector<2x128xf32>
    %add3A_821 = arith.addf %mul3A_816, %mul3A_820 : vector<2x128xf32>
    %slice3A_822 = vector.extract_strided_slice %add3A_83 {offsets = [1022, 0], sizes = [1, 128], strides = [1, 1]} : vector<1024x128xf32> to vector<1x128xf32>
    %dot_general3A_823 = arith.constant dense<0.000000e+00> : vector<1x128xf32>
    %dot_general3A_824 = tpu.matmul %slice3A_822, %get3A_86, %dot_general3A_823 {dimension_numbers = #tpu.dot_dimension_numbers<[1], [0], [0], [1], [0, 0, 1, 1], [], []>, transpose_lhs_hint = false} : vector<1x128xf32>, vector<128x128xf32>, vector<1x128xf32> -> vector<1x128xf32>
    %logistic3A_825 = arith.negf %dot_general3A_824 : vector<1x128xf32>
    %logistic3A_826 = math.exp %logistic3A_825 : vector<1x128xf32>
    %logistic3A_827 = arith.constant 1.000000e+00 : f32
    %logistic3A_828 = vector.broadcast %logistic3A_827 : f32 to vector<1x128xf32>
    %logistic3A_829 = arith.addf %logistic3A_828, %logistic3A_826 : vector<1x128xf32>
    %logistic3A_830 = arith.divf %logistic3A_828, %logistic3A_829 : vector<1x128xf32>
    %dot_general3A_831 = arith.constant dense<0.000000e+00> : vector<2x128xf32>
    %dot_general3A_832 = tpu.matmul %add3A_821, %get3A_89, %dot_general3A_831 {dimension_numbers = #tpu.dot_dimension_numbers<[1], [0], [0], [1], [0, 0, 1, 1], [], []>, transpose_lhs_hint = false} : vector<2x128xf32>, vector<128x128xf32>, vector<2x128xf32> -> vector<2x128xf32>
    %reshape3A_833 = vector.shape_cast %dot_general3A_832 : vector<2x128xf32> to vector<1x2x128xf32>
    %dot_general3A_834 = arith.constant dense<0.000000e+00> : vector<2x128xf32>
    %dot_general3A_835 = tpu.matmul %add3A_821, %get3A_92, %dot_general3A_834 {dimension_numbers = #tpu.dot_dimension_numbers<[1], [0], [0], [1], [0, 0, 1, 1], [], []>, transpose_lhs_hint = false} : vector<2x128xf32>, vector<128x128xf32>, vector<2x128xf32> -> vector<2x128xf32>
    %reshape3A_836 = vector.shape_cast %dot_general3A_835 : vector<2x128xf32> to vector<1x2x128xf32>
    %slice3A_837 = vector.extract_strided_slice %reshape3A_833 {offsets = [0, 0, 0], sizes = [1, 1, 128], strides = [1, 1, 1]} : vector<1x2x128xf32> to vector<1x1x128xf32>
    %squeeze3A_838 = vector.shape_cast %slice3A_837 : vector<1x1x128xf32> to vector<1x128xf32>
    %slice3A_839 = vector.extract_strided_slice %reshape3A_833 {offsets = [0, 1, 0], sizes = [1, 1, 128], strides = [1, 1, 1]} : vector<1x2x128xf32> to vector<1x1x128xf32>
    %squeeze3A_840 = vector.shape_cast %slice3A_839 : vector<1x1x128xf32> to vector<1x128xf32>
    %sub3A_841 = arith.subf %squeeze3A_838, %squeeze3A_840 : vector<1x128xf32>
    %mul3A_842 = arith.mulf %logistic3A_830, %sub3A_841 : vector<1x128xf32>
    %reduce_sum3A_843 = arith.constant dense<0.000000e+00> : vector<1xf32>
    %reduce_sum3A_844 = vector.multi_reduction <add>, %mul3A_842, %reduce_sum3A_843 [1] : vector<1x128xf32> to vector<1xf32>
    %broadcast_in_dim3A_845 = vector.shape_cast %reduce_sum3A_844 : vector<1xf32> to vector<1x1xf32>
    %mul3A_846 = arith.constant 0.0883883461 : f32
    %mul3A_847 = vector.broadcast %mul3A_846 : f32 to vector<1x1xf32>
    %mul3A_848 = arith.mulf %broadcast_in_dim3A_845, %mul3A_847 : vector<1x1xf32>
    %logistic3A_849 = arith.negf %mul3A_848 : vector<1x1xf32>
    %logistic3A_850 = math.exp %logistic3A_849 : vector<1x1xf32>
    %logistic3A_851 = arith.constant 1.000000e+00 : f32
    %logistic3A_852 = vector.broadcast %logistic3A_851 : f32 to vector<1x1xf32>
    %logistic3A_853 = arith.addf %logistic3A_852, %logistic3A_850 : vector<1x1xf32>
    %logistic3A_854 = arith.divf %logistic3A_852, %logistic3A_853 : vector<1x1xf32>
    %slice3A_855 = vector.extract_strided_slice %reshape3A_836 {offsets = [0, 0, 0], sizes = [1, 1, 128], strides = [1, 1, 1]} : vector<1x2x128xf32> to vector<1x1x128xf32>
    %squeeze3A_856 = vector.shape_cast %slice3A_855 : vector<1x1x128xf32> to vector<1x128xf32>
    %mul3A_857 = vector.broadcast %logistic3A_854 : vector<1x1xf32> to vector<1x128xf32>
    %mul3A_858 = arith.mulf %mul3A_857, %squeeze3A_856 : vector<1x128xf32>
    %sub3A_859 = arith.constant 1.000000e+00 : f32
    %sub3A_860 = vector.broadcast %sub3A_859 : f32 to vector<1x1xf32>
    %sub3A_861 = arith.subf %sub3A_860, %logistic3A_854 : vector<1x1xf32>
    %slice3A_862 = vector.extract_strided_slice %reshape3A_836 {offsets = [0, 1, 0], sizes = [1, 1, 128], strides = [1, 1, 1]} : vector<1x2x128xf32> to vector<1x1x128xf32>
    %squeeze3A_863 = vector.shape_cast %slice3A_862 : vector<1x1x128xf32> to vector<1x128xf32>
    %mul3A_864 = vector.broadcast %sub3A_861 : vector<1x1xf32> to vector<1x128xf32>
    %mul3A_865 = arith.mulf %mul3A_864, %squeeze3A_863 : vector<1x128xf32>
    %add3A_866 = arith.addf %mul3A_858, %mul3A_865 : vector<1x128xf32>
    %dot_general3A_867 = arith.constant dense<0.000000e+00> : vector<1x128xf32>
    %dot_general3A_868 = tpu.matmul %slice3A_822, %get3A_95, %dot_general3A_867 {dimension_numbers = #tpu.dot_dimension_numbers<[1], [0], [0], [1], [0, 0, 1, 1], [], []>, transpose_lhs_hint = false} : vector<1x128xf32>, vector<128x128xf32>, vector<1x128xf32> -> vector<1x128xf32>
    %dot_general3A_869 = arith.constant dense<0.000000e+00> : vector<1x128xf32>
    %dot_general3A_870 = tpu.matmul %add3A_866, %get3A_98, %dot_general3A_869 {dimension_numbers = #tpu.dot_dimension_numbers<[1], [0], [0], [1], [0, 0, 1, 1], [], []>, transpose_lhs_hint = false} : vector<1x128xf32>, vector<128x128xf32>, vector<1x128xf32> -> vector<1x128xf32>
    %add3A_871 = arith.addf %dot_general3A_868, %dot_general3A_870 : vector<1x128xf32>
    %add3A_872 = arith.addf %add3A_871, %get3A_113 : vector<1x128xf32>
    %logistic3A_873 = arith.negf %add3A_872 : vector<1x128xf32>
    %logistic3A_874 = math.exp %logistic3A_873 : vector<1x128xf32>
    %logistic3A_875 = arith.constant 1.000000e+00 : f32
    %logistic3A_876 = vector.broadcast %logistic3A_875 : f32 to vector<1x128xf32>
    %logistic3A_877 = arith.addf %logistic3A_876, %logistic3A_874 : vector<1x128xf32>
    %logistic3A_878 = arith.divf %logistic3A_876, %logistic3A_877 : vector<1x128xf32>
    %dot_general3A_879 = arith.constant dense<0.000000e+00> : vector<1x128xf32>
    %dot_general3A_880 = tpu.matmul %slice3A_822, %get3A_101, %dot_general3A_879 {dimension_numbers = #tpu.dot_dimension_numbers<[1], [0], [0], [1], [0, 0, 1, 1], [], []>, transpose_lhs_hint = false} : vector<1x128xf32>, vector<128x128xf32>, vector<1x128xf32> -> vector<1x128xf32>
    %dot_general3A_881 = arith.constant dense<0.000000e+00> : vector<1x128xf32>
    %dot_general3A_882 = tpu.matmul %add3A_866, %get3A_104, %dot_general3A_881 {dimension_numbers = #tpu.dot_dimension_numbers<[1], [0], [0], [1], [0, 0, 1, 1], [], []>, transpose_lhs_hint = false} : vector<1x128xf32>, vector<128x128xf32>, vector<1x128xf32> -> vector<1x128xf32>
    %add3A_883 = arith.addf %dot_general3A_880, %dot_general3A_882 : vector<1x128xf32>
    %add3A_884 = arith.addf %add3A_883, %get3A_116 : vector<1x128xf32>
    %logistic3A_885 = arith.negf %add3A_884 : vector<1x128xf32>
    %logistic3A_886 = math.exp %logistic3A_885 : vector<1x128xf32>
    %logistic3A_887 = arith.constant 1.000000e+00 : f32
    %logistic3A_888 = vector.broadcast %logistic3A_887 : f32 to vector<1x128xf32>
    %logistic3A_889 = arith.addf %logistic3A_888, %logistic3A_886 : vector<1x128xf32>
    %logistic3A_890 = arith.divf %logistic3A_888, %logistic3A_889 : vector<1x128xf32>
    %dot_general3A_891 = arith.constant dense<0.000000e+00> : vector<1x128xf32>
    %dot_general3A_892 = tpu.matmul %slice3A_822, %get3A_107, %dot_general3A_891 {dimension_numbers = #tpu.dot_dimension_numbers<[1], [0], [0], [1], [0, 0, 1, 1], [], []>, transpose_lhs_hint = false} : vector<1x128xf32>, vector<128x128xf32>, vector<1x128xf32> -> vector<1x128xf32>
    %mul3A_893 = arith.mulf %add3A_866, %logistic3A_890 : vector<1x128xf32>
    %dot_general3A_894 = arith.constant dense<0.000000e+00> : vector<1x128xf32>
    %dot_general3A_895 = tpu.matmul %mul3A_893, %get3A_110, %dot_general3A_894 {dimension_numbers = #tpu.dot_dimension_numbers<[1], [0], [0], [1], [0, 0, 1, 1], [], []>, transpose_lhs_hint = false} : vector<1x128xf32>, vector<128x128xf32>, vector<1x128xf32> -> vector<1x128xf32>
    %add3A_896 = arith.addf %dot_general3A_892, %dot_general3A_895 : vector<1x128xf32>
    %add3A_897 = arith.addf %add3A_896, %get3A_119 : vector<1x128xf32>
    %tanh3A_898 = math.tanh %add3A_897 : vector<1x128xf32>
    %mul3A_899 = arith.mulf %logistic3A_878, %add3A_866 : vector<1x128xf32>
    %sub3A_900 = arith.constant 1.000000e+00 : f32
    %sub3A_901 = vector.broadcast %sub3A_900 : f32 to vector<1x128xf32>
    %sub3A_902 = arith.subf %sub3A_901, %logistic3A_878 : vector<1x128xf32>
    %mul3A_903 = arith.mulf %sub3A_902, %tanh3A_898 : vector<1x128xf32>
    %add3A_904 = arith.addf %mul3A_899, %mul3A_903 : vector<1x128xf32>
    %get3A_905 = arith.constant 0 : index
    %get3A_906 = arith.constant 0 : index
    %get3A_907 = vector.load %arg14[%get3A_905, %get3A_906] : memref<4x128xf32, #tpu.memory_space<vmem>>, vector<4x128xf32>
    %dot_general3A_908 = arith.constant dense<0.000000e+00> : vector<1x4xf32>
    %dot_general3A_909 = tpu.matmul %add3A_904, %get3A_907, %dot_general3A_908 {dimension_numbers = #tpu.dot_dimension_numbers<[1], [1], [0], [0], [0, 0, 1, 0], [], []>, transpose_lhs_hint = false} : vector<1x128xf32>, vector<4x128xf32>, vector<1x4xf32> -> vector<1x4xf32>
    %get3A_910 = arith.constant 0 : index
    %get3A_911 = arith.constant 0 : index
    %get3A_912 = vector.load %arg15[%get3A_910, %get3A_911] : memref<1x4xf32, #tpu.memory_space<vmem>>, vector<1x4xf32>
    %add3A_913 = arith.addf %dot_general3A_909, %get3A_912 : vector<1x4xf32>
    %reduce_max3A = vector.shape_cast %add3A_913 : vector<1x4xf32> to vector<1x1x4xf32>
    %reduce_max3A_914 = arith.constant dense<0xFF800000> : vector<1xf32>
    %reduce_max3A_915 = vector.multi_reduction <maximumf>, %reduce_max3A, %reduce_max3A_914 [1, 2] : vector<1x1x4xf32> to vector<1xf32>
    %reduce_max3A_916 = vector.shape_cast %reduce_max3A_915 : vector<1xf32> to vector<1x1x1xf32>
    %reduce_max3A_917 = vector.extract %reduce_max3A_916[0, 0, 0] : f32 from vector<1x1x1xf32>
    %sub3A_918 = vector.broadcast %reduce_max3A_917 : f32 to vector<1x4xf32>
    %sub3A_919 = arith.subf %add3A_913, %sub3A_918 : vector<1x4xf32>
    %exp3A = math.exp %sub3A_919 : vector<1x4xf32>
    %reduce_sum3A_920 = vector.shape_cast %exp3A : vector<1x4xf32> to vector<1x1x4xf32>
    %reduce_sum3A_921 = arith.constant dense<0.000000e+00> : vector<1xf32>
    %reduce_sum3A_922 = vector.multi_reduction <add>, %reduce_sum3A_920, %reduce_sum3A_921 [1, 2] : vector<1x1x4xf32> to vector<1xf32>
    %reduce_sum3A_923 = vector.shape_cast %reduce_sum3A_922 : vector<1xf32> to vector<1x1x1xf32>
    %reduce_sum3A_924 = vector.extract %reduce_sum3A_923[0, 0, 0] : f32 from vector<1x1x1xf32>
    %div3A = vector.broadcast %reduce_sum3A_924 : f32 to vector<1x4xf32>
    %div3A_925 = arith.divf %exp3A, %div3A : vector<1x4xf32>
    %swap3A = arith.constant 0 : index
    %swap3A_926 = arith.constant 0 : index
    %swap3A_927 = vector.load %arg17[%swap3A, %swap3A_926] : memref<1x4xf32, #tpu.memory_space<vmem>>, vector<1x4xf32>
    tpu.vector_store %arg17[%swap3A, %swap3A_926], %div3A_925 {strides = array<i32>} : memref<1x4xf32, #tpu.memory_space<vmem>>, vector<1x4xf32>,
    %get3A_928 = arith.constant 0 : index
    %get3A_929 = arith.constant 0 : index
    %get3A_930 = vector.load %arg16[%get3A_928, %get3A_929] : memref<1x4xf32, #tpu.memory_space<vmem>>, vector<1x4xf32>
    %sub3A_931 = arith.subf %get3A_930, %div3A_925 : vector<1x4xf32>
    %integer_pow3A = arith.mulf %sub3A_931, %sub3A_931 : vector<1x4xf32>
    %reduce_sum3A_932 = vector.shape_cast %integer_pow3A : vector<1x4xf32> to vector<1x1x4xf32>
    %reduce_sum3A_933 = arith.constant dense<0.000000e+00> : vector<1xf32>
    %reduce_sum3A_934 = vector.multi_reduction <add>, %reduce_sum3A_932, %reduce_sum3A_933 [1, 2] : vector<1x1x4xf32> to vector<1xf32>
    %reduce_sum3A_935 = vector.shape_cast %reduce_sum3A_934 : vector<1xf32> to vector<1x1x1xf32>
    %reduce_sum3A_936 = vector.extract %reduce_sum3A_935[0, 0, 0] : f32 from vector<1x1x1xf32>
    %broadcast_in_dim3A_937 = vector.broadcast %reduce_sum3A_936 : f32 to vector<1x1xf32>
    %swap3A_938 = arith.constant 0 : index
    %swap3A_939 = arith.constant 0 : index
    %swap3A_940 = vector.load %arg18[%swap3A_938, %swap3A_939] : memref<1x1xf32, #tpu.memory_space<vmem>>, vector<1x1xf32>
    tpu.vector_store %arg18[%swap3A_938, %swap3A_939], %broadcast_in_dim3A_937 {strides = array<i32>} : memref<1x1xf32, #tpu.memory_space<vmem>>, vector<1x1xf32>,
    return
  }
}

</mosaic_0001>

<sc_bundles>
// kernel: kernel.4.cloned.1.call-start
scs
__scs_entry_jumppad:
0x0: {  	(pc) =	sbr.rel $0x88, $3  }
0x1: {  	(tag) =	ssettag $0x0;
	lr =	simm.s32 $0x1  }
0x2: {  	[smem:$0x3F8F] =	sst lr;
	_ =	strace $0xD0000000  }
0x3: {  	_ = 	snop  }
0x4: {  	_ = 	snop  }
0x5: {  	_ = 	snop  }
0x6: {  	_ = 	snop  }
0x7: {  	_ = 	snop  }
__scs_overlays_trampoline_lowered:
0x8: {  	[smem:$0x3F9E] =	sst s0  }
0x9: {  	[smem:$0x3F9F] =	sst s1  }
0xa: {  	[smem:$0x3FA0] =	sst s2  }
0xb: {  	[smem:$0x3FA1] =	sst s3  }
0xc: {  	[smem:$0x3FA2] =	sst s4  }
0xd: {  	[smem:$0x3FA3] =	sst s5  }
0xe: {  	[smem:$0x3FA4] =	sst s6  }
0xf: {  	[smem:$0x3FA5] =	sst s7  }
0x10: {  	[smem:$0x3FA6] =	sst s8  }
0x11: {  	[smem:$0x3FA7] =	sst s9;
	s0 =	simm.s32 @!p0 $0x0  }
0x12: {  	s1 =	sld [smem:$0x3F8D];
	s0 =	simm.s32 @p0 $0x1  }
0x13: {  	[smem:$0x3FA8] =	sst s0;
	s0 =	simm.s32 @!p1 $0x0  }
0x14: {  	s2 =	sld [smem:$0x3F8C];
	s0 =	simm.s32 @p1 $0x1  }
0x15: {  	[smem:$0x3FA9] =	sst s0;
	s0 =	simm.s32 @!p2 $0x0  }
0x16: {  	s3 =	sld [smem:$0x3FDB];
	s0 =	simm.s32 @p2 $0x1  }
0x17: {  	s4 =	simm.s32 $0x1BF5;
	[smem:$0x3FAB] =	sst s0  }
0x18: {  	s0 =	sld [smem:$0x3F8E];
	_ =	swait.ge [sflag:s4], $0x0  }
0x19: {  	s7 =	sld [smem:$0x3F8F]  }
0x1a: {  	s8 =	sadd.s32 $0xFFFFE003, lr  }
0x1b: {  	s9 =	sadd.s32 $0xFFFFFEF7, lr;
	s5 =	simm.s32 $0xFFFFFFFF;
	p2 =	slt.u32 s8, $0xFFFFF086  }
0x1c: {  	p1 =	slt.u32 s9, $0xF7A;
	s5 =	simm.s32 @!p2 $0x0  }
0x1d: {  	s5 =	simm.s32 @p1 $0x1;
	p0 =	seq.s32 s7, s2  }
0x1e: {  	s7 =	smul.u32 @!p0 $0xF7A, s2;
	p2 =	seq.s32 @!p0 s5, $0x0  }
0x1f: {  	s9 =	smul.u32 $0xF7A, s1;
	s8 =	simm.s32 @!p0 $0x1BF5;
	p2 =	por !p2, p0  }
0x20: {  	[sflag:s8] =	ssyncset.s32 @!p0 $0xFFFFF086;
	s6 =	sadd.s32 @!p0 s3, s7;
	s7 =	simm.s32 @!p0 $0x108  }
0x21: {  	s3 =	sadd.s32 s3, s9;
	s6 =	sadd.s32 @!p0 $0x88, s6;
	s7 =	simm.s32 @p2 $0x1082  }
0x22: {  	[simem:s7], [sflag:s8] =	dma.local @!p0 [hbm:s6], $0xF7A  }
0x23: {  	s9 =	sor.u32 $0xD0000000, s2;
	s6 =	simm.s32 $0x108;
	_ =	swait.ge @!p0 [sflag:s8], $0x0  }
0x24: {  	s3 =	sadd.s32 $0x88, s3;
	s6 =	simm.s32 @!p1 $0x1082;
	[sflag:s4] =	ssyncset.s32 $0xFFFFF086  }
0x25: {  	[simem:s6], [sflag:s4] =	dma.local [hbm:s3], $0xF7A  }
0x26: {  	[smem:$0x3F8F] =	sst s1;
	(tag) =	ssettag s2;
	_ =	strace s9  }
0x27: {  	s1 =	sld [smem:$0x3F9F]  }
0x28: {  	s2 =	sld [smem:$0x3FA0]  }
0x29: {  	s4 =	sld [smem:$0x3FA2]  }
0x2a: {  	p0 =	seq.s32 s5, $0x0;
	s5 =	sld [smem:$0x3FA3]  }
0x2b: {  	s6 =	sld [smem:$0x3FA4]  }
0x2c: {  	s7 =	sld [smem:$0x3FA5]  }
0x2d: {  	s3 =	simm.s32 $0x108;
	s8 =	sld [smem:$0x3FA6]  }
0x2e: {  	s3 =	simm.s32 @!p0 $0x1082;
	s9 =	sld [smem:$0x3FA7]  }
0x2f: {  	lr =	sadd.s32 s0, s3;
	s0 =	sld [smem:$0x3F9E]  }
0x30: {  	s3 =	sld [smem:$0x3FA1]  }
0x31: {  	[smem:$0x3FAA] =	sst s10  }
0x32: {  	s10 =	sld [smem:$0x3FA8];
	_ =	sdelay $0x3  }
0x33: {  	p0 =	seq.s32 s10, $0x1;
	s10 =	sld [smem:$0x3FAA];
	_ =	sdelay $0x3  }
0x34: {  	[smem:$0x3FAA] =	sst s10  }
0x35: {  	s10 =	sld [smem:$0x3FA9];
	_ =	sdelay $0x3  }
0x36: {  	p1 =	seq.s32 s10, $0x1;
	s10 =	sld [smem:$0x3FAA];
	_ =	sdelay $0x3  }
0x37: {  	[smem:$0x3FAA] =	sst s10  }
0x38: {  	s10 =	sld [smem:$0x3FAB]  }
0x39: {  	_ = 	snop;
	(pc) =	sbr.ind lr, $3  }
0x3a: {  	_ = 	snop  }
0x3b: {  	_ = 	snop  }
0x3c: {  	p2 =	seq.s32 s10, $0x1;
	s10 =	sld [smem:$0x3FAA]  }
0x3d: {  	_ =	shalt  }
0x3e: {  	_ =	shalt  }
0x3f: {  	_ =	shalt  }
0x40: {  	_ =	shalt  }
0x41: {  	_ =	shalt  }
0x42: {  	_ =	shalt  }
0x43: {  	_ =	shalt  }
0x44: {  	_ =	shalt  }
0x45: {  	_ =	shalt  }
0x46: {  	_ =	shalt  }
0x47: {  	_ =	shalt  }
0x48: {  	_ =	shalt  }
0x49: {  	_ =	shalt  }
0x4a: {  	_ =	shalt  }
0x4b: {  	_ =	shalt  }
0x4c: {  	_ =	shalt  }
0x4d: {  	_ =	shalt  }
0x4e: {  	_ =	shalt  }
0x4f: {  	_ =	shalt  }
0x50: {  	_ =	shalt  }
0x51: {  	_ =	shalt  }
0x52: {  	_ =	shalt  }
0x53: {  	_ =	shalt  }
0x54: {  	_ =	shalt  }
0x55: {  	_ =	shalt  }
0x56: {  	_ =	shalt  }
0x57: {  	_ =	shalt  }
0x58: {  	_ =	shalt  }
0x59: {  	_ =	shalt  }
0x5a: {  	_ =	shalt  }
0x5b: {  	_ =	shalt  }
0x5c: {  	_ =	shalt  }
0x5d: {  	_ =	shalt  }
0x5e: {  	_ =	shalt  }
0x5f: {  	_ =	shalt  }
0x60: {  	_ =	shalt  }
0x61: {  	_ =	shalt  }
0x62: {  	_ =	shalt  }
0x63: {  	_ =	shalt  }
0x64: {  	_ =	shalt  }
0x65: {  	_ =	shalt  }
0x66: {  	_ =	shalt  }
0x67: {  	_ =	shalt  }
0x68: {  	_ =	shalt  }
0x69: {  	_ =	shalt  }
0x6a: {  	_ =	shalt  }
0x6b: {  	_ =	shalt  }
0x6c: {  	_ =	shalt  }
0x6d: {  	_ =	shalt  }
0x6e: {  	_ =	shalt  }
0x6f: {  	_ =	shalt  }
0x70: {  	_ =	shalt  }
0x71: {  	_ =	shalt  }
0x72: {  	_ =	shalt  }
0x73: {  	_ =	shalt  }
0x74: {  	_ =	shalt  }
0x75: {  	_ =	shalt  }
0x76: {  	_ =	shalt  }
0x77: {  	_ =	shalt  }
0x78: {  	_ =	shalt  }
0x79: {  	_ =	shalt  }
0x7a: {  	_ =	shalt  }
0x7b: {  	_ =	shalt  }
0x7c: {  	_ =	shalt  }
0x7d: {  	_ =	shalt  }
0x7e: {  	_ =	shalt  }
0x7f: {  	_ =	shalt  }
0x80: {  	_ =	shalt  }
0x81: {  	_ =	shalt  }
0x82: {  	_ =	shalt  }
0x83: {  	_ =	shalt  }
0x84: {  	_ =	shalt  }
0x85: {  	_ =	shalt  }
0x86: {  	_ =	shalt  }
0x87: {  	_ =	shalt  }
.Lfunc_end0:
.L_simem_size_0:
called_computation_lowered:
.L_overlay_start_0:
0x88: {  	s2 =	sld [smem:$0x3FD9]  }
0x89: {  	s3 =	sld [smem:$0x3FFE];
	_ =	sdelay $0x1  }
0x8a: {  	s1 =	srdreg.scid  }
0x8b: {  	s0 =	sand.u32 $0x1, s1  }
0x8c: {  	s17 =	sshll.u32 s0, $0xA;
	s2 =	sadd.s32 s3, s2  }
0x8d: {  	s2 =	sadd.s32 s2, s17  }
0x8e: {  	[smem:$0x3FB6] =	sst s2  }
0x8f: {  	_ = 	snop  }
0x90: {  	s2 =	sld [smem:$0x3FC6];
	(tm) =	ssettm $0x1  }
0x91: {  	s18 =	sld [smem:$0x3FFB];
	_ =	sdelay $0x3  }
0x92: {  	_ =	strace s18  }
0x93: {  	s3 =	sld [smem:$0x3FFC];
	_ =	sdelay $0x3  }
0x94: {  	_ =	strace s3  }
0x95: {  	s3 =	sld [smem:$0x3FFD];
	_ =	sdelay $0x3  }
0x96: {  	_ =	strace s3  }
0x97: {  	_ =	strace $0x8FFFFFFF  }
0x98: {  	s19 =	sld [smem:$0x3FDB];
	_ =	sdelay $0x1  }
0x99: {  	s4 =	simm.s32 $_scs_section_size  }
0x9a: {  	s5 =	simm.s32 $_size__tile_overlayer_lowered;
	s6 =	simm.s32 $_tile_overlayer_lowered  }
0x9b: {  	s22 =	simm.s32 $0x1BFF;
	s21 =	sshll.u32 s6, $0x1;
	s3 =	sadd.s32 s4, s19  }
0x9c: {  	s7 =	simm.s32 $0x0;
	s20 =	sshll.u32 s5, $0x1;
	s5 =	sadd.s32 s21, s3  }
0x9d: {  	[timem:s7], [sflag:s22] =	dma.local [hbm:s5], s20  }
0x9e: {  	_ =	swait.ge [sflag:s22], s20  }
0x9f: {  	s4 =	ssub.s32 $0x0, s20;
	[sflag:s22] =	ssyncset.done $0x0  }
0xa0: {  	[sflag:s22] =	ssyncadd.s32 s4;
	_ =	sdelay $0x1  }
0xa1: {  	s23 =	simm.s32 $0x1B8B  }
0xa2: {  	_ =	swait.ge [sflag:s23], $0x1  }
0xa3: {  	[sflag:s23] =	ssyncset.done $0x0  }
0xa4: {  	s25 =	simm.s32 $0x1B8E;
	s24 =	sld [smem:$0x3FFE];
	[sflag:s23] =	ssyncadd.s32 $0xFFFFFFFF  }
0xa5: {  	s26 =	simm.s32 $execute0_lowered;
	[smem:$0x3FD2] =	sst s25  }
0xa6: {  	s5 =	sshll.u32 s26, $0x1;
	_ =	strace $0x80000046;
	[dreg:$0x1] =	wrdreg $0xFFFFFFFF  }
0xa7: {  	s28 =	simm.s32 $_size_execute0_lowered;
	s3 =	sadd.s32 s3, s5;
	[dreg:$0x0] =	wrdreg $0x0  }
0xa8: {  	s5 =	sshll.u32 s28, $0x1;
	[dreg:$0x2] =	wrdreg s3  }
0xa9: {  	[dreg:$0x3] =	wrdreg s5  }
0xaa: {  	[dreg:$0x4] =	wrdreg $0xC0  }
0xab: {  	_ =	task [dreg:s7], $0x5FFFF  }
0xac: {  	[dreg:$0x1] =	wrdreg $0xFFFFFFFF  }
0xad: {  	[dreg:$0x0] =	wrdreg $0x60  }
0xae: {  	[dreg:$0x2] =	wrdreg s2  }
0xaf: {  	[dreg:$0x3] =	wrdreg s24  }
0xb0: {  	[dreg:$0x4] =	wrdreg $0x9  }
0xb1: {  	_ =	task.clear_ibuf [dreg:s7], $0x5FFFF;
	_ =	strace $0x90000046  }
0xb2: {  	s29 =	simm.s32 $0x9;
	_ =	strace $0x80000048  }
0xb3: {  	_ =	swait.ge [sflag:s29], $0x1  }
0xb4: {  	[sflag:s29] =	ssyncadd.s32 $0xFFFFFFFF  }
0xb5: {  	_ =	strace $0x90000048  }
0xb6: {  	_ =	sfence  }
0xb7: {  	s30 =	sld [smem:$0x0];
	_ =	sdelay $0x2  }
0xb8: {  	s31 =	sshll.u32 s1, $0xD;
	s1 =	sshrl.u32 s1, $0x2  }
0xb9: {  	s3 =	sand.u32 $0x4000, s31;
	s1 =	sadd.s32 s1, s30  }
0xba: {  	s0 =	sor.u32 s3, s0;
	s1 =	sshll.u32 s1, $0x11  }
0xbb: {  	s0 =	sor.u32 s1, s0  }
0xbc: {  	s0 =	sadd.s32 $0x8F2B, s0  }
0xbd: {  	[sflag:s0] =	ssyncadd.remote.s32 $0x1  }
0xbe: {  	_ =	sfence.sel $0xFFFF  }
0xbf: {  	[dreg:$0x0] =	wrdreg $0xFFFFFFFF;
	(pc) =	sbr.abs _section_cstart, $3  }
0xc0: {  	[dreg:$0x1] =	wrdreg $0xFFFFFFFF  }
0xc1: {  	_ =	task.clear_ibuf [dreg:s7], $0x2FFFF;
	_ =	strace $0x9FFFFFFF  }
0xc2: {  	(tm) =	ssettm $0x7FFFFFFF  }
0xc3: {  	_ =	shalt  }
tec
execute0_lowered:
.L_overlay_start_1:
0x0: {  	(tag) =	ssettag $0x1  }
0x1: {  	s1 =	srdreg.scid  }
0x2: {  	s0 =	stileid.u32;
	s6 =	sand.u32 $0x1, s1  }
0x3: {  	s2 =	rddreg [dreg:$0x0];
	s30 =	sshll.u32 s0, $0x9;
	s3 =	sshll.u32 s6, $0x8  }
0x4: {  	s8 =	rddreg [dreg:$0x1];
	s7 =	simm.s32 $0x1;
	s9 =	sor.u32 s3, s30  }
0x5: {  	s1 =	rddreg [dreg:$0x2];
	s3 =	simm.s32 $0x0;
	s4 =	sshrl.u32 s9, $0x3  }
0x6: {  	s10 =	ssub.s32 $0x2, s6;
	[smem:$0x7FF] =	sst s3;
	s4 =	sadd.s32 s4, s8  }
0x7: {  	_ =	strace $0x80000047;
	s5 =	sadd.s32 $0x2800, s4;
	s4 =	simm.s32 $0x2  }
0x8: {  	[tilespmem:s3], [sflag:$0x2] =	stream.linear.gather [hbm4b:s5+s3], $0x100, $0x38;
	[tilespmem:$0x8100] =	vst v63  }
0x9: {  	s6 =	simm.s32 $0x100;
	s11 =	sshrl.u32 s10, $0x1;
	_ =	swait.ge [sflag:s4], $0x100  }
0xa: {  	s9 =	sshll.u32 s9, $0x4;
	s31 =	ssub.s32 s10, s11;
	[sflag:s4] =	ssyncset.done $0x0  }
0xb: {  	s8 =	sadd.s32 s9, s8;
	s9 =	smax.u32 s31, $0x1;
	[sflag:s4] =	ssyncadd.s32 $0xFFFFFF00  }
0xc: {  	[tilespmem:s6], [sflag:$0x1] =	stream.indirect.gather [hbm4b:s2+s6], $0x80, s3, s6, $0xb8;
	[tilespmem:$0x8100] =	vst v63  }
0xd: {  	p0 =	sne.s32 s9, $0x1;
	_ =	swait.ge [sflag:s7], $0x8000  }
.Ltmp0:
0xe: {  	[sflag:s7] =	ssyncset.done $0x0;
	(pc) =	sbr.rel @!p0 .LBB2_2-.Ltmp0, $4  }
0xf: {  	s8 =	sadd.s32 $0x2C00, s8;
	[sflag:s7] =	ssyncadd.s32 $0xFFFF8000  }
0x10: {  	[hbm4b:s8+s3] =	stream.linear.scatter [tilespmem:s6], [sflag:$0x2], $0x8000, $0x38;
	[tilespmem:$0x8100] =	vst v63  }
0x11: {  	_ =	swait.ge [sflag:s4], $0x8000  }
0x12: {  	s9 =	sadd.s32 $0xFFFFFFFF, s9;
	[sflag:s4] =	ssyncset.done $0x0  }
.LBB2_1:
0x13: {  	p0 =	sne.s32 s9, $0x1;
	s9 =	sadd.s32 $0xFFFFFFFF, s9;
	[sflag:s4] =	ssyncadd.s32 $0xFFFF8000  }
0x14: {  	[tilespmem:s3], [sflag:$0x2] =	stream.linear.gather [hbm4b:s5+s3], $0x100, $0x38;
	[tilespmem:$0x8100] =	vst v63  }
0x15: {  	_ =	swait.ge [sflag:s4], $0x100  }
0x16: {  	[sflag:s4] =	ssyncset.done $0x0  }
0x17: {  	[sflag:s4] =	ssyncadd.s32 $0xFFFFFF00  }
0x18: {  	[tilespmem:s6], [sflag:$0x1] =	stream.indirect.gather [hbm4b:s2+s6], $0x80, s3, s6, $0xb8;
	[tilespmem:$0x8100] =	vst v63  }
0x19: {  	_ =	swait.ge [sflag:s7], $0x8000  }
.Ltmp1:
0x1a: {  	[sflag:s7] =	ssyncset.done $0x0;
	(pc) =	sbr.rel @p0 .LBB2_1-.Ltmp1, $4  }
0x1b: {  	[sflag:s7] =	ssyncadd.s32 $0xFFFF8000  }
0x1c: {  	[hbm4b:s8+s3] =	stream.linear.scatter [tilespmem:s6], [sflag:$0x2], $0x8000, $0x38;
	[tilespmem:$0x8100] =	vst v63  }
0x1d: {  	_ =	swait.ge [sflag:s4], $0x8000  }
0x1e: {  	[sflag:s4] =	ssyncset.done $0x0  }
.LBB2_2:
0x1f: {  	[sflag:s4] =	ssyncadd.s32 $0xFFFF8000  }
0x20: {  	_ =	sfence.sel $0x180000  }
0x21: {  	[bflag:$0x0] =	sbarrier.arrive $0xFFFF  }
0x22: {  	p0 =	sne.s32 s0, $0x0;
	_ =	strace $0x90000047  }
0x23: {  	s0 =	sadd.s32 @!p0 $0x100000, s1;
	[bflag:$0x2] =	sbarrier.arrive $0xFFFF  }
0x24: {  	[sflag:s0] =	ssyncadd.tile.s32 @!p0 $0x1;
	_ =	shalt  }
.Lfunc_end2:
_tile_overlayer_lowered:
.L_overlay_start_2:
0x25: {  	(tag) =	ssettag $0x2  }
0x26: {  	s0 =	rddreg [dreg:$0x0];
	s2 =	stileid.u32  }
0x27: {  	s1 =	rddreg [dreg:$0x1];
	p0 =	sne.s32 s2, $0x0  }
0x28: {  	s3 =	rddreg [dreg:$0x2];
	[bflag:$0x3] =	sbarrier.arrive $0xFFFF;
	s2 =	simm.s32 @!p0 $0x1C02  }
0x29: {  	[timem:s3], [sflag:s2] =	dma.local @!p0 [hbm:s0], s1  }
0x2a: {  	s0 =	simm.s32 @!p0 $0x2  }
0x2b: {  	_ =	swait.ge @!p0 [sflag:s0], s1  }
0x2c: {  	s1 =	ssub.s32 @!p0 $0x0, s1;
	[sflag:s0] =	ssyncset.done @!p0 $0x0  }
0x2d: {  	[sflag:s0] =	ssyncadd.s32 @!p0 s1  }
0x2e: {  	[bflag:$0x3] =	sbarrier.arrive $0xFFFF  }
0x2f: {  	_ =	shalt  }

</sc_bundles>
